<compile_context>
chip_gen: v7x
topology: tpu7x:2x2x1
jax: 0.10.2.dev20260603
libtpu: 0.0.44.dev20260713+nightly
codegen_flags: <defaults>
</compile_context>

<pallas_src>
import functools

import jax
import jax.numpy as jnp
from jax import lax
from jax.experimental import pallas as pl
from jax.experimental.pallas import tpu as pltpu
from jax.experimental.pallas import tpu_sc as plsc

NUM_NODES = 100000
EMB = 128
EMB_U = 32
T = 4
B = 8192
NEIGH = 10

NW = 32
SEGS = B * T
SEG_W = SEGS // NW
GSEG = 8
GIDX = GSEG * NEIGH
NG_W = SEG_W // GSEG

BLK = 1024


def _sc_segment_sum(idx2d, table2d):
    mesh = plsc.VectorSubcoreMesh(core_axis_name="c", subcore_axis_name="s")

    @functools.partial(
        pl.kernel,
        mesh=mesh,
        out_type=jax.ShapeDtypeStruct((SEGS, EMB_U), jnp.float32),
        scratch_types=[
            pltpu.VMEM((NG_W, GIDX), jnp.int32),
            pltpu.VMEM((GIDX, EMB_U), jnp.float32),
            pltpu.VMEM((SEG_W, EMB_U), jnp.float32),
            pltpu.SemaphoreType.DMA,
        ],
        compiler_params=pltpu.CompilerParams(use_tc_tiling_on_sc=False),
    )
    def k(idx_hbm, table_hbm, out_hbm, idx_v, rows_v, out_v, sem):
        wid = lax.axis_index("s") * 2 + lax.axis_index("c")
        pltpu.sync_copy(idx_hbm.at[pl.ds(wid * NG_W, NG_W)], idx_v)

        def body(g, carry):
            pltpu.async_copy(table_hbm.at[idx_v.at[g]], rows_v, sem).wait()
            for s in range(GSEG):
                base = s * NEIGH
                a0 = rows_v[base, 0:16]
                a1 = rows_v[base, 16:32]
                for n in range(1, NEIGH):
                    a0 = a0 + rows_v[base + n, 0:16]
                    a1 = a1 + rows_v[base + n, 16:32]
                seg = g * GSEG + s
                out_v[seg, 0:16] = a0
                out_v[seg, 16:32] = a1
            return carry

        lax.fori_loop(0, NG_W, body, 0)
        pltpu.sync_copy(out_v, out_hbm.at[pl.ds(wid * SEG_W, SEG_W)])

    return k(idx2d, table2d)


def _tc_dense_body(x_ref, t_ref, w1_ref, w2_ref, w_ref, o_ref):
    tb = t_ref[...]
    xt = [x_ref[:, i * EMB_U:(i + 1) * EMB_U] for i in range(T)]
    oh = [(tb == s).astype(jnp.float32) for s in range(T)]

    logits = [jnp.zeros((BLK, 1), jnp.float32) for _ in range(T)]
    for s in range(T):
        w1s = w1_ref[s]
        w2s = w2_ref[s][:, 0][None, :]
        for i in range(T):
            h = jnp.tanh(jnp.dot(xt[i], w1s, preferred_element_type=jnp.float32))
            l = jnp.sum(h * w2s, axis=1, keepdims=True)
            logits[i] = logits[i] + oh[s] * l

    m = logits[0]
    for i in range(1, T):
        m = jnp.maximum(m, logits[i])
    e = [jnp.exp(l - m) for l in logits]
    z = e[0]
    for i in range(1, T):
        z = z + e[i]
    inv_z = 1.0 / z

    agg = jnp.zeros((BLK, EMB_U), jnp.float32)
    for i in range(T):
        agg = agg + (e[i] * inv_z) * xt[i]

    out = jnp.zeros((BLK, EMB), jnp.float32)
    for s in range(T):
        out = out + oh[s] * jnp.dot(agg, w_ref[s], preferred_element_type=jnp.float32)

    nrm = jnp.maximum(jnp.sqrt(jnp.sum(out * out, axis=1, keepdims=True)), 1e-12)
    o_ref[...] = out / nrm


def _tc_dense(nte, types2d, w1, w2, w):
    grid = (B // BLK,)
    return pl.pallas_call(
        _tc_dense_body,
        grid=grid,
        in_specs=[
            pl.BlockSpec((BLK, T * EMB_U), lambda i: (i, 0)),
            pl.BlockSpec((BLK, 1), lambda i: (i, 0)),
            pl.BlockSpec((T, EMB_U, EMB_U), lambda i: (0, 0, 0)),
            pl.BlockSpec((T, EMB_U, 1), lambda i: (0, 0, 0)),
            pl.BlockSpec((T, EMB_U, EMB), lambda i: (0, 0, 0)),
        ],
        out_specs=pl.BlockSpec((BLK, EMB), lambda i: (i, 0)),
        out_shape=jax.ShapeDtypeStruct((B, EMB), jnp.float32),
    )(nte, types2d, w1, w2, w)


def kernel(train_inputs, train_types, node_neigh, node_embeddings,
           node_type_embeddings, trans_weights, trans_weights_s1, trans_weights_s2):
    del train_inputs, node_embeddings
    tvec = jnp.arange(T, dtype=node_neigh.dtype)
    idx2d = (node_neigh * T + tvec[None, :, None]).reshape(SEGS * NEIGH // GIDX, GIDX)
    idx2d = idx2d.astype(jnp.int32)
    table2d = node_type_embeddings.reshape(NUM_NODES * T, EMB_U)

    nte = _sc_segment_sum(idx2d, table2d)
    nte = nte.reshape(B, T * EMB_U)

    out = _tc_dense(nte, train_types.reshape(B, 1).astype(jnp.int32),
                    trans_weights_s1, trans_weights_s2, trans_weights)
    return out

# --- scband reference (transcript-rebuilt; emitter-appended) ---
"""Pipeline reference for scband-gatnemodel-8881992368189 (READ-ONLY COPY).

The authoritative reference and input builder live on the scoring server;
editing this copy changes nothing except your own understanding.
"""

import jax, jax.numpy as jnp
import numpy as np

NUM_NODES = 100000
EMB = 128
EMB_U = 32
T = 4
DIM_A = 32
B = 8192
NEIGH = 10


def setup_inputs(seed: int = 0) -> dict:
    key = jax.random.key(seed)
    ks = jax.random.split(key, 8)
    train_inputs = jax.random.randint(ks[0], (B,), 0, NUM_NODES)
    train_types = jax.random.randint(ks[1], (B,), 0, T)
    node_neigh = jax.random.randint(ks[2], (B, T, NEIGH), 0, NUM_NODES)
    node_embeddings = jax.random.uniform(ks[3], (NUM_NODES, EMB), minval=-1.0, maxval=1.0, dtype=jnp.float32)
    node_type_embeddings = jax.random.uniform(ks[4], (NUM_NODES, T, EMB_U), minval=-1.0, maxval=1.0, dtype=jnp.float32)
    std = 1.0 / np.sqrt(EMB)
    trans_weights = jax.random.normal(ks[5], (T, EMB_U, EMB), dtype=jnp.float32) * std
    trans_weights_s1 = jax.random.normal(ks[6], (T, EMB_U, DIM_A), dtype=jnp.float32) * std
    trans_weights_s2 = jax.random.normal(ks[7], (T, DIM_A, 1), dtype=jnp.float32) * std
    return {
        "train_inputs": train_inputs,
        "train_types": train_types,
        "node_neigh": node_neigh,
        "node_embeddings": node_embeddings,
        "node_type_embeddings": node_type_embeddings,
        "trans_weights": trans_weights,
        "trans_weights_s1": trans_weights_s1,
        "trans_weights_s2": trans_weights_s2,
    }


def reference(train_inputs, train_types, node_neigh, node_embeddings,
              node_type_embeddings, trans_weights, trans_weights_s1, trans_weights_s2):
    # features is None path of GATNEModel.forward
    node_embed = node_embeddings[train_inputs]  # [B, EMB]; overwritten later, kept faithful
    node_embed_neighbors = node_type_embeddings[node_neigh]  # [B, T, NEIGH, T, EMB_U]
    node_embed_tmp = jnp.concatenate(
        [node_embed_neighbors[:, i, :, i, :][:, None, :, :] for i in range(T)], axis=1
    )  # [B, T, NEIGH, EMB_U]
    node_type_embed = jnp.sum(node_embed_tmp, axis=2)  # [B, T, EMB_U]
    trans_w = trans_weights[train_types]        # [B, EMB_U, EMB]
    trans_w_s1 = trans_weights_s1[train_types]  # [B, EMB_U, DIM_A]
    trans_w_s2 = trans_weights_s2[train_types]  # [B, DIM_A, 1]
    attention = jax.nn.softmax(
        jnp.squeeze(jnp.matmul(jnp.tanh(jnp.matmul(node_type_embed, trans_w_s1)), trans_w_s2), axis=2),
        axis=1,
    )[:, None, :]  # [B, 1, T]
    node_type_embed = jnp.matmul(attention, node_type_embed)  # [B, 1, EMB_U]
    node_embed = jnp.squeeze(jnp.matmul(node_type_embed, trans_w), axis=1)  # [B, EMB]
    norm = jnp.maximum(jnp.linalg.norm(node_embed, axis=1, keepdims=True), 1e-12)
    last_node_embed = node_embed / norm  # F.normalize(dim=1)
    return last_node_embed

if __name__ == "__main__":
    import jax
    _d = setup_inputs()
    print(jax.jit(kernel)(*tuple(_d.values())))

</pallas_src>

<mosaic_0001>
#map = affine_map<(d0, d1) -> (0, 0)>
module attributes {stable_mosaic.version = 14 : i64} {
  func.func @k(%arg0: i32, %arg1: i32, %arg2: memref<4096x80xi32, #tpu.memory_space<hbm>>, %arg3: memref<400000x32xf32, #tpu.memory_space<hbm>>, %arg4: memref<32768x32xf32, #tpu.memory_space<hbm>>, %arg5: memref<128x80xi32, #tpu.memory_space<vmem>>, %arg6: memref<80x32xf32, #tpu.memory_space<vmem>>, %arg7: memref<1024x32xf32, #tpu.memory_space<vmem>>, %arg8: memref<!tpu.dma_semaphore, #tpu.memory_space<semaphore_mem>>) attributes {dimension_semantics = [#tpu.dimension_semantics<core_parallel>, #tpu.dimension_semantics<subcore_parallel>], iteration_bounds = array<i64: 2, 16>, scalar_prefetch = 0 : i64, scratch_operands = 4 : i64, tpu.core_type = #tpu.core_type<sc_vector_subcore>, window_params = [{transform_indices = #map}, {transform_indices = #map}, {transform_indices = #map}]} {
    %mul3A = arith.constant 2 : i32
    %mul3A_0 = arith.muli %arg1, %mul3A : i32
    %add3A = arith.addi %mul3A_0, %arg0 : i32
    %mul3A_1 = arith.constant 128 : i32
    %mul3A_2 = arith.muli %add3A, %mul3A_1 : i32
    "tpu.region"() ({
      %run_scoped3A = tpu.sem_alloc : memref<!tpu.dma_semaphore, #tpu.memory_space<semaphore_mem>>
      %dma_start3A = arith.constant 0 : i32
      %dma_start3A_10 = tpu.memref_slice %arg2[%mul3A_2, %dma_start3A] : memref<4096x80xi32, #tpu.memory_space<hbm>> -> memref<128x80xi32, #tpu.memory_space<hbm>>
      %dma_start3A_11 = arith.constant 0 : i32
      %dma_start3A_12 = tpu.memref_slice %arg2[%mul3A_2, %dma_start3A_11] : memref<4096x80xi32, #tpu.memory_space<hbm>> -> memref<128x80xi32, #tpu.memory_space<hbm>>
      tpu.enqueue_dma source(%dma_start3A_12 : memref<128x80xi32, #tpu.memory_space<hbm>>) target(%arg5 : memref<128x80xi32, #tpu.memory_space<vmem>>) target_semaphore(%run_scoped3A : memref<!tpu.dma_semaphore, #tpu.memory_space<semaphore_mem>>)
      %dma_wait3A = arith.constant 0 : i32
      %dma_wait3A_13 = tpu.memref_slice %arg2[%mul3A_2, %dma_wait3A] : memref<4096x80xi32, #tpu.memory_space<hbm>> -> memref<128x80xi32, #tpu.memory_space<hbm>>
      %dma_wait3A_14 = arith.constant 0 : i32
      %dma_wait3A_15 = tpu.memref_slice %arg2[%mul3A_2, %dma_wait3A_14] : memref<4096x80xi32, #tpu.memory_space<hbm>> -> memref<128x80xi32, #tpu.memory_space<hbm>>
      tpu.wait_dma2 semaphore(%run_scoped3A : memref<!tpu.dma_semaphore, #tpu.memory_space<semaphore_mem>>) src(%dma_wait3A_15 : memref<128x80xi32, #tpu.memory_space<hbm>>) dst(%arg5 : memref<128x80xi32, #tpu.memory_space<vmem>>)
      tpu.yield
    }) : () -> ()
    %scan3A = arith.constant 0 : i32
    %scan3A_3 = arith.constant 0 : i32
    %scan3A_4 = arith.constant 128 : i32
    %scan3A_5 = arith.addi %scan3A_3, %scan3A_4 : i32
    %scan3A_6 = arith.constant 1 : i32
    scf.for %scan3A_10 = %scan3A_3 to %scan3A_5 step %scan3A_6  : i32 {
      %dma_start3A = arith.constant 0 : i32
      %dma_start3A_11 = tpu.memref_slice %arg5[%scan3A_10, %dma_start3A] : memref<128x80xi32, #tpu.memory_space<vmem>> -> memref<1x80xi32, #tpu.memory_space<vmem>>
      %dma_start3A_12 = tpu.memref_squeeze %dma_start3A_11 : memref<1x80xi32, #tpu.memory_space<vmem>> -> memref<80xi32, #tpu.memory_space<vmem>>
      %dma_start3A_13 = arith.constant 0 : i32
      %dma_start3A_14 = arith.constant 0 : i32
      %dma_start3A_15 = tpu.memref_slice %arg3[%dma_start3A_13, %dma_start3A_14] : memref<400000x32xf32, #tpu.memory_space<hbm>> -> memref<400000x32xf32, #tpu.memory_space<hbm>>
      tpu.enqueue_indirect_dma source(%dma_start3A_15 : memref<400000x32xf32, #tpu.memory_space<hbm>>) target(%arg6 : memref<80x32xf32, #tpu.memory_space<vmem>>) offsets(%dma_start3A_12 : memref<80xi32, #tpu.memory_space<vmem>>) semaphore(%arg8 : memref<!tpu.dma_semaphore, #tpu.memory_space<semaphore_mem>>)
      %dma_wait3A = arith.constant 0 : i32
      %dma_wait3A_16 = tpu.memref_slice %arg5[%scan3A_10, %dma_wait3A] : memref<128x80xi32, #tpu.memory_space<vmem>> -> memref<1x80xi32, #tpu.memory_space<vmem>>
      %dma_wait3A_17 = tpu.memref_squeeze %dma_wait3A_16 : memref<1x80xi32, #tpu.memory_space<vmem>> -> memref<80xi32, #tpu.memory_space<vmem>>
      %dma_wait3A_18 = arith.constant 0 : i32
      %dma_wait3A_19 = arith.constant 0 : i32
      %dma_wait3A_20 = tpu.memref_slice %arg3[%dma_wait3A_18, %dma_wait3A_19] : memref<400000x32xf32, #tpu.memory_space<hbm>> -> memref<400000x32xf32, #tpu.memory_space<hbm>>
      tpu.wait_indirect_dma semaphore(%arg8 : memref<!tpu.dma_semaphore, #tpu.memory_space<semaphore_mem>>) src(%dma_wait3A_20 : memref<400000x32xf32, #tpu.memory_space<hbm>>) dst(%arg6 : memref<80x32xf32, #tpu.memory_space<vmem>>)
      %get3A = arith.constant 0 : i32
      %get3A_21 = arith.index_cast %get3A : i32 to index
      %get3A_22 = arith.constant 0 : index
      %get3A_23 = tpu.vector_load %arg6[%get3A_21, %get3A_22] {strides = array<i32>} : memref<80x32xf32, #tpu.memory_space<vmem>>, vector<1x16xf32>,
      %get3A_24 = vector.shape_cast %get3A_23 : vector<1x16xf32> to vector<16xf32>
      %get3A_25 = arith.constant 0 : i32
      %get3A_26 = arith.index_cast %get3A_25 : i32 to index
      %get3A_27 = arith.constant 16 : index
      %get3A_28 = tpu.vector_load %arg6[%get3A_26, %get3A_27] {strides = array<i32>} : memref<80x32xf32, #tpu.memory_space<vmem>>, vector<1x16xf32>,
      %get3A_29 = vector.shape_cast %get3A_28 : vector<1x16xf32> to vector<16xf32>
      %get3A_30 = arith.constant 1 : i32
      %get3A_31 = arith.index_cast %get3A_30 : i32 to index
      %get3A_32 = arith.constant 0 : index
      %get3A_33 = tpu.vector_load %arg6[%get3A_31, %get3A_32] {strides = array<i32>} : memref<80x32xf32, #tpu.memory_space<vmem>>, vector<1x16xf32>,
      %get3A_34 = vector.shape_cast %get3A_33 : vector<1x16xf32> to vector<16xf32>
      %add3A_35 = arith.addf %get3A_24, %get3A_34 : vector<16xf32>
      %get3A_36 = arith.constant 1 : i32
      %get3A_37 = arith.index_cast %get3A_36 : i32 to index
      %get3A_38 = arith.constant 16 : index
      %get3A_39 = tpu.vector_load %arg6[%get3A_37, %get3A_38] {strides = array<i32>} : memref<80x32xf32, #tpu.memory_space<vmem>>, vector<1x16xf32>,
      %get3A_40 = vector.shape_cast %get3A_39 : vector<1x16xf32> to vector<16xf32>
      %add3A_41 = arith.addf %get3A_29, %get3A_40 : vector<16xf32>
      %get3A_42 = arith.constant 2 : i32
      %get3A_43 = arith.index_cast %get3A_42 : i32 to index
      %get3A_44 = arith.constant 0 : index
      %get3A_45 = tpu.vector_load %arg6[%get3A_43, %get3A_44] {strides = array<i32>} : memref<80x32xf32, #tpu.memory_space<vmem>>, vector<1x16xf32>,
      %get3A_46 = vector.shape_cast %get3A_45 : vector<1x16xf32> to vector<16xf32>
      %add3A_47 = arith.addf %add3A_35, %get3A_46 : vector<16xf32>
      %get3A_48 = arith.constant 2 : i32
      %get3A_49 = arith.index_cast %get3A_48 : i32 to index
      %get3A_50 = arith.constant 16 : index
      %get3A_51 = tpu.vector_load %arg6[%get3A_49, %get3A_50] {strides = array<i32>} : memref<80x32xf32, #tpu.memory_space<vmem>>, vector<1x16xf32>,
      %get3A_52 = vector.shape_cast %get3A_51 : vector<1x16xf32> to vector<16xf32>
      %add3A_53 = arith.addf %add3A_41, %get3A_52 : vector<16xf32>
      %get3A_54 = arith.constant 3 : i32
      %get3A_55 = arith.index_cast %get3A_54 : i32 to index
      %get3A_56 = arith.constant 0 : index
      %get3A_57 = tpu.vector_load %arg6[%get3A_55, %get3A_56] {strides = array<i32>} : memref<80x32xf32, #tpu.memory_space<vmem>>, vector<1x16xf32>,
      %get3A_58 = vector.shape_cast %get3A_57 : vector<1x16xf32> to vector<16xf32>
      %add3A_59 = arith.addf %add3A_47, %get3A_58 : vector<16xf32>
      %get3A_60 = arith.constant 3 : i32
      %get3A_61 = arith.index_cast %get3A_60 : i32 to index
      %get3A_62 = arith.constant 16 : index
      %get3A_63 = tpu.vector_load %arg6[%get3A_61, %get3A_62] {strides = array<i32>} : memref<80x32xf32, #tpu.memory_space<vmem>>, vector<1x16xf32>,
      %get3A_64 = vector.shape_cast %get3A_63 : vector<1x16xf32> to vector<16xf32>
      %add3A_65 = arith.addf %add3A_53, %get3A_64 : vector<16xf32>
      %get3A_66 = arith.constant 4 : i32
      %get3A_67 = arith.index_cast %get3A_66 : i32 to index
      %get3A_68 = arith.constant 0 : index
      %get3A_69 = tpu.vector_load %arg6[%get3A_67, %get3A_68] {strides = array<i32>} : memref<80x32xf32, #tpu.memory_space<vmem>>, vector<1x16xf32>,
      %get3A_70 = vector.shape_cast %get3A_69 : vector<1x16xf32> to vector<16xf32>
      %add3A_71 = arith.addf %add3A_59, %get3A_70 : vector<16xf32>
      %get3A_72 = arith.constant 4 : i32
      %get3A_73 = arith.index_cast %get3A_72 : i32 to index
      %get3A_74 = arith.constant 16 : index
      %get3A_75 = tpu.vector_load %arg6[%get3A_73, %get3A_74] {strides = array<i32>} : memref<80x32xf32, #tpu.memory_space<vmem>>, vector<1x16xf32>,
      %get3A_76 = vector.shape_cast %get3A_75 : vector<1x16xf32> to vector<16xf32>
      %add3A_77 = arith.addf %add3A_65, %get3A_76 : vector<16xf32>
      %get3A_78 = arith.constant 5 : i32
      %get3A_79 = arith.index_cast %get3A_78 : i32 to index
      %get3A_80 = arith.constant 0 : index
      %get3A_81 = tpu.vector_load %arg6[%get3A_79, %get3A_80] {strides = array<i32>} : memref<80x32xf32, #tpu.memory_space<vmem>>, vector<1x16xf32>,
      %get3A_82 = vector.shape_cast %get3A_81 : vector<1x16xf32> to vector<16xf32>
      %add3A_83 = arith.addf %add3A_71, %get3A_82 : vector<16xf32>
      %get3A_84 = arith.constant 5 : i32
      %get3A_85 = arith.index_cast %get3A_84 : i32 to index
      %get3A_86 = arith.constant 16 : index
      %get3A_87 = tpu.vector_load %arg6[%get3A_85, %get3A_86] {strides = array<i32>} : memref<80x32xf32, #tpu.memory_space<vmem>>, vector<1x16xf32>,
      %get3A_88 = vector.shape_cast %get3A_87 : vector<1x16xf32> to vector<16xf32>
      %add3A_89 = arith.addf %add3A_77, %get3A_88 : vector<16xf32>
      %get3A_90 = arith.constant 6 : i32
      %get3A_91 = arith.index_cast %get3A_90 : i32 to index
      %get3A_92 = arith.constant 0 : index
      %get3A_93 = tpu.vector_load %arg6[%get3A_91, %get3A_92] {strides = array<i32>} : memref<80x32xf32, #tpu.memory_space<vmem>>, vector<1x16xf32>,
      %get3A_94 = vector.shape_cast %get3A_93 : vector<1x16xf32> to vector<16xf32>
      %add3A_95 = arith.addf %add3A_83, %get3A_94 : vector<16xf32>
      %get3A_96 = arith.constant 6 : i32
      %get3A_97 = arith.index_cast %get3A_96 : i32 to index
      %get3A_98 = arith.constant 16 : index
      %get3A_99 = tpu.vector_load %arg6[%get3A_97, %get3A_98] {strides = array<i32>} : memref<80x32xf32, #tpu.memory_space<vmem>>, vector<1x16xf32>,
      %get3A_100 = vector.shape_cast %get3A_99 : vector<1x16xf32> to vector<16xf32>
      %add3A_101 = arith.addf %add3A_89, %get3A_100 : vector<16xf32>
      %get3A_102 = arith.constant 7 : i32
      %get3A_103 = arith.index_cast %get3A_102 : i32 to index
      %get3A_104 = arith.constant 0 : index
      %get3A_105 = tpu.vector_load %arg6[%get3A_103, %get3A_104] {strides = array<i32>} : memref<80x32xf32, #tpu.memory_space<vmem>>, vector<1x16xf32>,
      %get3A_106 = vector.shape_cast %get3A_105 : vector<1x16xf32> to vector<16xf32>
      %add3A_107 = arith.addf %add3A_95, %get3A_106 : vector<16xf32>
      %get3A_108 = arith.constant 7 : i32
      %get3A_109 = arith.index_cast %get3A_108 : i32 to index
      %get3A_110 = arith.constant 16 : index
      %get3A_111 = tpu.vector_load %arg6[%get3A_109, %get3A_110] {strides = array<i32>} : memref<80x32xf32, #tpu.memory_space<vmem>>, vector<1x16xf32>,
      %get3A_112 = vector.shape_cast %get3A_111 : vector<1x16xf32> to vector<16xf32>
      %add3A_113 = arith.addf %add3A_101, %get3A_112 : vector<16xf32>
      %get3A_114 = arith.constant 8 : i32
      %get3A_115 = arith.index_cast %get3A_114 : i32 to index
      %get3A_116 = arith.constant 0 : index
      %get3A_117 = tpu.vector_load %arg6[%get3A_115, %get3A_116] {strides = array<i32>} : memref<80x32xf32, #tpu.memory_space<vmem>>, vector<1x16xf32>,
      %get3A_118 = vector.shape_cast %get3A_117 : vector<1x16xf32> to vector<16xf32>
      %add3A_119 = arith.addf %add3A_107, %get3A_118 : vector<16xf32>
      %get3A_120 = arith.constant 8 : i32
      %get3A_121 = arith.index_cast %get3A_120 : i32 to index
      %get3A_122 = arith.constant 16 : index
      %get3A_123 = tpu.vector_load %arg6[%get3A_121, %get3A_122] {strides = array<i32>} : memref<80x32xf32, #tpu.memory_space<vmem>>, vector<1x16xf32>,
      %get3A_124 = vector.shape_cast %get3A_123 : vector<1x16xf32> to vector<16xf32>
      %add3A_125 = arith.addf %add3A_113, %get3A_124 : vector<16xf32>
      %get3A_126 = arith.constant 9 : i32
      %get3A_127 = arith.index_cast %get3A_126 : i32 to index
      %get3A_128 = arith.constant 0 : index
      %get3A_129 = tpu.vector_load %arg6[%get3A_127, %get3A_128] {strides = array<i32>} : memref<80x32xf32, #tpu.memory_space<vmem>>, vector<1x16xf32>,
      %get3A_130 = vector.shape_cast %get3A_129 : vector<1x16xf32> to vector<16xf32>
      %add3A_131 = arith.addf %add3A_119, %get3A_130 : vector<16xf32>
      %get3A_132 = arith.constant 9 : i32
      %get3A_133 = arith.index_cast %get3A_132 : i32 to index
      %get3A_134 = arith.constant 16 : index
      %get3A_135 = tpu.vector_load %arg6[%get3A_133, %get3A_134] {strides = array<i32>} : memref<80x32xf32, #tpu.memory_space<vmem>>, vector<1x16xf32>,
      %get3A_136 = vector.shape_cast %get3A_135 : vector<1x16xf32> to vector<16xf32>
      %add3A_137 = arith.addf %add3A_125, %get3A_136 : vector<16xf32>
      %mul3A_138 = arith.constant 8 : i32
      %mul3A_139 = arith.muli %scan3A_10, %mul3A_138 : i32
      %add3A_140 = arith.constant 0 : i32
      %add3A_141 = arith.addi %mul3A_139, %add3A_140 : i32
      %swap3A = arith.index_cast %add3A_141 : i32 to index
      %swap3A_142 = arith.constant 0 : index
      %swap3A_143 = tpu.vector_load %arg7[%swap3A, %swap3A_142] {strides = array<i32>} : memref<1024x32xf32, #tpu.memory_space<vmem>>, vector<1x16xf32>,
      %swap3A_144 = vector.shape_cast %swap3A_143 : vector<1x16xf32> to vector<16xf32>
      %swap3A_145 = vector.shape_cast %add3A_131 : vector<16xf32> to vector<1x16xf32>
      tpu.vector_store %arg7[%swap3A, %swap3A_142], %swap3A_145 {strides = array<i32>} : memref<1024x32xf32, #tpu.memory_space<vmem>>, vector<1x16xf32>,
      %swap3A_146 = arith.index_cast %add3A_141 : i32 to index
      %swap3A_147 = arith.constant 16 : index
      %swap3A_148 = tpu.vector_load %arg7[%swap3A_146, %swap3A_147] {strides = array<i32>} : memref<1024x32xf32, #tpu.memory_space<vmem>>, vector<1x16xf32>,
      %swap3A_149 = vector.shape_cast %swap3A_148 : vector<1x16xf32> to vector<16xf32>
      %swap3A_150 = vector.shape_cast %add3A_137 : vector<16xf32> to vector<1x16xf32>
      tpu.vector_store %arg7[%swap3A_146, %swap3A_147], %swap3A_150 {strides = array<i32>} : memref<1024x32xf32, #tpu.memory_space<vmem>>, vector<1x16xf32>,
      %get3A_151 = arith.constant 10 : i32
      %get3A_152 = arith.index_cast %get3A_151 : i32 to index
      %get3A_153 = arith.constant 0 : index
      %get3A_154 = tpu.vector_load %arg6[%get3A_152, %get3A_153] {strides = array<i32>} : memref<80x32xf32, #tpu.memory_space<vmem>>, vector<1x16xf32>,
      %get3A_155 = vector.shape_cast %get3A_154 : vector<1x16xf32> to vector<16xf32>
      %get3A_156 = arith.constant 10 : i32
      %get3A_157 = arith.index_cast %get3A_156 : i32 to index
      %get3A_158 = arith.constant 16 : index
      %get3A_159 = tpu.vector_load %arg6[%get3A_157, %get3A_158] {strides = array<i32>} : memref<80x32xf32, #tpu.memory_space<vmem>>, vector<1x16xf32>,
      %get3A_160 = vector.shape_cast %get3A_159 : vector<1x16xf32> to vector<16xf32>
      %get3A_161 = arith.constant 11 : i32
      %get3A_162 = arith.index_cast %get3A_161 : i32 to index
      %get3A_163 = arith.constant 0 : index
      %get3A_164 = tpu.vector_load %arg6[%get3A_162, %get3A_163] {strides = array<i32>} : memref<80x32xf32, #tpu.memory_space<vmem>>, vector<1x16xf32>,
      %get3A_165 = vector.shape_cast %get3A_164 : vector<1x16xf32> to vector<16xf32>
      %add3A_166 = arith.addf %get3A_155, %get3A_165 : vector<16xf32>
      %get3A_167 = arith.constant 11 : i32
      %get3A_168 = arith.index_cast %get3A_167 : i32 to index
      %get3A_169 = arith.constant 16 : index
      %get3A_170 = tpu.vector_load %arg6[%get3A_168, %get3A_169] {strides = array<i32>} : memref<80x32xf32, #tpu.memory_space<vmem>>, vector<1x16xf32>,
      %get3A_171 = vector.shape_cast %get3A_170 : vector<1x16xf32> to vector<16xf32>
      %add3A_172 = arith.addf %get3A_160, %get3A_171 : vector<16xf32>
      %get3A_173 = arith.constant 12 : i32
      %get3A_174 = arith.index_cast %get3A_173 : i32 to index
      %get3A_175 = arith.constant 0 : index
      %get3A_176 = tpu.vector_load %arg6[%get3A_174, %get3A_175] {strides = array<i32>} : memref<80x32xf32, #tpu.memory_space<vmem>>, vector<1x16xf32>,
      %get3A_177 = vector.shape_cast %get3A_176 : vector<1x16xf32> to vector<16xf32>
      %add3A_178 = arith.addf %add3A_166, %get3A_177 : vector<16xf32>
      %get3A_179 = arith.constant 12 : i32
      %get3A_180 = arith.index_cast %get3A_179 : i32 to index
      %get3A_181 = arith.constant 16 : index
      %get3A_182 = tpu.vector_load %arg6[%get3A_180, %get3A_181] {strides = array<i32>} : memref<80x32xf32, #tpu.memory_space<vmem>>, vector<1x16xf32>,
      %get3A_183 = vector.shape_cast %get3A_182 : vector<1x16xf32> to vector<16xf32>
      %add3A_184 = arith.addf %add3A_172, %get3A_183 : vector<16xf32>
      %get3A_185 = arith.constant 13 : i32
      %get3A_186 = arith.index_cast %get3A_185 : i32 to index
      %get3A_187 = arith.constant 0 : index
      %get3A_188 = tpu.vector_load %arg6[%get3A_186, %get3A_187] {strides = array<i32>} : memref<80x32xf32, #tpu.memory_space<vmem>>, vector<1x16xf32>,
      %get3A_189 = vector.shape_cast %get3A_188 : vector<1x16xf32> to vector<16xf32>
      %add3A_190 = arith.addf %add3A_178, %get3A_189 : vector<16xf32>
      %get3A_191 = arith.constant 13 : i32
      %get3A_192 = arith.index_cast %get3A_191 : i32 to index
      %get3A_193 = arith.constant 16 : index
      %get3A_194 = tpu.vector_load %arg6[%get3A_192, %get3A_193] {strides = array<i32>} : memref<80x32xf32, #tpu.memory_space<vmem>>, vector<1x16xf32>,
      %get3A_195 = vector.shape_cast %get3A_194 : vector<1x16xf32> to vector<16xf32>
      %add3A_196 = arith.addf %add3A_184, %get3A_195 : vector<16xf32>
      %get3A_197 = arith.constant 14 : i32
      %get3A_198 = arith.index_cast %get3A_197 : i32 to index
      %get3A_199 = arith.constant 0 : index
      %get3A_200 = tpu.vector_load %arg6[%get3A_198, %get3A_199] {strides = array<i32>} : memref<80x32xf32, #tpu.memory_space<vmem>>, vector<1x16xf32>,
      %get3A_201 = vector.shape_cast %get3A_200 : vector<1x16xf32> to vector<16xf32>
      %add3A_202 = arith.addf %add3A_190, %get3A_201 : vector<16xf32>
      %get3A_203 = arith.constant 14 : i32
      %get3A_204 = arith.index_cast %get3A_203 : i32 to index
      %get3A_205 = arith.constant 16 : index
      %get3A_206 = tpu.vector_load %arg6[%get3A_204, %get3A_205] {strides = array<i32>} : memref<80x32xf32, #tpu.memory_space<vmem>>, vector<1x16xf32>,
      %get3A_207 = vector.shape_cast %get3A_206 : vector<1x16xf32> to vector<16xf32>
      %add3A_208 = arith.addf %add3A_196, %get3A_207 : vector<16xf32>
      %get3A_209 = arith.constant 15 : i32
      %get3A_210 = arith.index_cast %get3A_209 : i32 to index
      %get3A_211 = arith.constant 0 : index
      %get3A_212 = tpu.vector_load %arg6[%get3A_210, %get3A_211] {strides = array<i32>} : memref<80x32xf32, #tpu.memory_space<vmem>>, vector<1x16xf32>,
      %get3A_213 = vector.shape_cast %get3A_212 : vector<1x16xf32> to vector<16xf32>
      %add3A_214 = arith.addf %add3A_202, %get3A_213 : vector<16xf32>
      %get3A_215 = arith.constant 15 : i32
      %get3A_216 = arith.index_cast %get3A_215 : i32 to index
      %get3A_217 = arith.constant 16 : index
      %get3A_218 = tpu.vector_load %arg6[%get3A_216, %get3A_217] {strides = array<i32>} : memref<80x32xf32, #tpu.memory_space<vmem>>, vector<1x16xf32>,
      %get3A_219 = vector.shape_cast %get3A_218 : vector<1x16xf32> to vector<16xf32>
      %add3A_220 = arith.addf %add3A_208, %get3A_219 : vector<16xf32>
      %get3A_221 = arith.constant 16 : i32
      %get3A_222 = arith.index_cast %get3A_221 : i32 to index
      %get3A_223 = arith.constant 0 : index
      %get3A_224 = tpu.vector_load %arg6[%get3A_222, %get3A_223] {strides = array<i32>} : memref<80x32xf32, #tpu.memory_space<vmem>>, vector<1x16xf32>,
      %get3A_225 = vector.shape_cast %get3A_224 : vector<1x16xf32> to vector<16xf32>
      %add3A_226 = arith.addf %add3A_214, %get3A_225 : vector<16xf32>
      %get3A_227 = arith.constant 16 : i32
      %get3A_228 = arith.index_cast %get3A_227 : i32 to index
      %get3A_229 = arith.constant 16 : index
      %get3A_230 = tpu.vector_load %arg6[%get3A_228, %get3A_229] {strides = array<i32>} : memref<80x32xf32, #tpu.memory_space<vmem>>, vector<1x16xf32>,
      %get3A_231 = vector.shape_cast %get3A_230 : vector<1x16xf32> to vector<16xf32>
      %add3A_232 = arith.addf %add3A_220, %get3A_231 : vector<16xf32>
      %get3A_233 = arith.constant 17 : i32
      %get3A_234 = arith.index_cast %get3A_233 : i32 to index
      %get3A_235 = arith.constant 0 : index
      %get3A_236 = tpu.vector_load %arg6[%get3A_234, %get3A_235] {strides = array<i32>} : memref<80x32xf32, #tpu.memory_space<vmem>>, vector<1x16xf32>,
      %get3A_237 = vector.shape_cast %get3A_236 : vector<1x16xf32> to vector<16xf32>
      %add3A_238 = arith.addf %add3A_226, %get3A_237 : vector<16xf32>
      %get3A_239 = arith.constant 17 : i32
      %get3A_240 = arith.index_cast %get3A_239 : i32 to index
      %get3A_241 = arith.constant 16 : index
      %get3A_242 = tpu.vector_load %arg6[%get3A_240, %get3A_241] {strides = array<i32>} : memref<80x32xf32, #tpu.memory_space<vmem>>, vector<1x16xf32>,
      %get3A_243 = vector.shape_cast %get3A_242 : vector<1x16xf32> to vector<16xf32>
      %add3A_244 = arith.addf %add3A_232, %get3A_243 : vector<16xf32>
      %get3A_245 = arith.constant 18 : i32
      %get3A_246 = arith.index_cast %get3A_245 : i32 to index
      %get3A_247 = arith.constant 0 : index
      %get3A_248 = tpu.vector_load %arg6[%get3A_246, %get3A_247] {strides = array<i32>} : memref<80x32xf32, #tpu.memory_space<vmem>>, vector<1x16xf32>,
      %get3A_249 = vector.shape_cast %get3A_248 : vector<1x16xf32> to vector<16xf32>
      %add3A_250 = arith.addf %add3A_238, %get3A_249 : vector<16xf32>
      %get3A_251 = arith.constant 18 : i32
      %get3A_252 = arith.index_cast %get3A_251 : i32 to index
      %get3A_253 = arith.constant 16 : index
      %get3A_254 = tpu.vector_load %arg6[%get3A_252, %get3A_253] {strides = array<i32>} : memref<80x32xf32, #tpu.memory_space<vmem>>, vector<1x16xf32>,
      %get3A_255 = vector.shape_cast %get3A_254 : vector<1x16xf32> to vector<16xf32>
      %add3A_256 = arith.addf %add3A_244, %get3A_255 : vector<16xf32>
      %get3A_257 = arith.constant 19 : i32
      %get3A_258 = arith.index_cast %get3A_257 : i32 to index
      %get3A_259 = arith.constant 0 : index
      %get3A_260 = tpu.vector_load %arg6[%get3A_258, %get3A_259] {strides = array<i32>} : memref<80x32xf32, #tpu.memory_space<vmem>>, vector<1x16xf32>,
      %get3A_261 = vector.shape_cast %get3A_260 : vector<1x16xf32> to vector<16xf32>
      %add3A_262 = arith.addf %add3A_250, %get3A_261 : vector<16xf32>
      %get3A_263 = arith.constant 19 : i32
      %get3A_264 = arith.index_cast %get3A_263 : i32 to index
      %get3A_265 = arith.constant 16 : index
      %get3A_266 = tpu.vector_load %arg6[%get3A_264, %get3A_265] {strides = array<i32>} : memref<80x32xf32, #tpu.memory_space<vmem>>, vector<1x16xf32>,
      %get3A_267 = vector.shape_cast %get3A_266 : vector<1x16xf32> to vector<16xf32>
      %add3A_268 = arith.addf %add3A_256, %get3A_267 : vector<16xf32>
      %mul3A_269 = arith.constant 8 : i32
      %mul3A_270 = arith.muli %scan3A_10, %mul3A_269 : i32
      %add3A_271 = arith.constant 1 : i32
      %add3A_272 = arith.addi %mul3A_270, %add3A_271 : i32
      %swap3A_273 = arith.index_cast %add3A_272 : i32 to index
      %swap3A_274 = arith.constant 0 : index
      %swap3A_275 = tpu.vector_load %arg7[%swap3A_273, %swap3A_274] {strides = array<i32>} : memref<1024x32xf32, #tpu.memory_space<vmem>>, vector<1x16xf32>,
      %swap3A_276 = vector.shape_cast %swap3A_275 : vector<1x16xf32> to vector<16xf32>
      %swap3A_277 = vector.shape_cast %add3A_262 : vector<16xf32> to vector<1x16xf32>
      tpu.vector_store %arg7[%swap3A_273, %swap3A_274], %swap3A_277 {strides = array<i32>} : memref<1024x32xf32, #tpu.memory_space<vmem>>, vector<1x16xf32>,
      %swap3A_278 = arith.index_cast %add3A_272 : i32 to index
      %swap3A_279 = arith.constant 16 : index
      %swap3A_280 = tpu.vector_load %arg7[%swap3A_278, %swap3A_279] {strides = array<i32>} : memref<1024x32xf32, #tpu.memory_space<vmem>>, vector<1x16xf32>,
      %swap3A_281 = vector.shape_cast %swap3A_280 : vector<1x16xf32> to vector<16xf32>
      %swap3A_282 = vector.shape_cast %add3A_268 : vector<16xf32> to vector<1x16xf32>
      tpu.vector_store %arg7[%swap3A_278, %swap3A_279], %swap3A_282 {strides = array<i32>} : memref<1024x32xf32, #tpu.memory_space<vmem>>, vector<1x16xf32>,
      %get3A_283 = arith.constant 20 : i32
      %get3A_284 = arith.index_cast %get3A_283 : i32 to index
      %get3A_285 = arith.constant 0 : index
      %get3A_286 = tpu.vector_load %arg6[%get3A_284, %get3A_285] {strides = array<i32>} : memref<80x32xf32, #tpu.memory_space<vmem>>, vector<1x16xf32>,
      %get3A_287 = vector.shape_cast %get3A_286 : vector<1x16xf32> to vector<16xf32>
      %get3A_288 = arith.constant 20 : i32
      %get3A_289 = arith.index_cast %get3A_288 : i32 to index
      %get3A_290 = arith.constant 16 : index
      %get3A_291 = tpu.vector_load %arg6[%get3A_289, %get3A_290] {strides = array<i32>} : memref<80x32xf32, #tpu.memory_space<vmem>>, vector<1x16xf32>,
      %get3A_292 = vector.shape_cast %get3A_291 : vector<1x16xf32> to vector<16xf32>
      %get3A_293 = arith.constant 21 : i32
      %get3A_294 = arith.index_cast %get3A_293 : i32 to index
      %get3A_295 = arith.constant 0 : index
      %get3A_296 = tpu.vector_load %arg6[%get3A_294, %get3A_295] {strides = array<i32>} : memref<80x32xf32, #tpu.memory_space<vmem>>, vector<1x16xf32>,
      %get3A_297 = vector.shape_cast %get3A_296 : vector<1x16xf32> to vector<16xf32>
      %add3A_298 = arith.addf %get3A_287, %get3A_297 : vector<16xf32>
      %get3A_299 = arith.constant 21 : i32
      %get3A_300 = arith.index_cast %get3A_299 : i32 to index
      %get3A_301 = arith.constant 16 : index
      %get3A_302 = tpu.vector_load %arg6[%get3A_300, %get3A_301] {strides = array<i32>} : memref<80x32xf32, #tpu.memory_space<vmem>>, vector<1x16xf32>,
      %get3A_303 = vector.shape_cast %get3A_302 : vector<1x16xf32> to vector<16xf32>
      %add3A_304 = arith.addf %get3A_292, %get3A_303 : vector<16xf32>
      %get3A_305 = arith.constant 22 : i32
      %get3A_306 = arith.index_cast %get3A_305 : i32 to index
      %get3A_307 = arith.constant 0 : index
      %get3A_308 = tpu.vector_load %arg6[%get3A_306, %get3A_307] {strides = array<i32>} : memref<80x32xf32, #tpu.memory_space<vmem>>, vector<1x16xf32>,
      %get3A_309 = vector.shape_cast %get3A_308 : vector<1x16xf32> to vector<16xf32>
      %add3A_310 = arith.addf %add3A_298, %get3A_309 : vector<16xf32>
      %get3A_311 = arith.constant 22 : i32
      %get3A_312 = arith.index_cast %get3A_311 : i32 to index
      %get3A_313 = arith.constant 16 : index
      %get3A_314 = tpu.vector_load %arg6[%get3A_312, %get3A_313] {strides = array<i32>} : memref<80x32xf32, #tpu.memory_space<vmem>>, vector<1x16xf32>,
      %get3A_315 = vector.shape_cast %get3A_314 : vector<1x16xf32> to vector<16xf32>
      %add3A_316 = arith.addf %add3A_304, %get3A_315 : vector<16xf32>
      %get3A_317 = arith.constant 23 : i32
      %get3A_318 = arith.index_cast %get3A_317 : i32 to index
      %get3A_319 = arith.constant 0 : index
      %get3A_320 = tpu.vector_load %arg6[%get3A_318, %get3A_319] {strides = array<i32>} : memref<80x32xf32, #tpu.memory_space<vmem>>, vector<1x16xf32>,
      %get3A_321 = vector.shape_cast %get3A_320 : vector<1x16xf32> to vector<16xf32>
      %add3A_322 = arith.addf %add3A_310, %get3A_321 : vector<16xf32>
      %get3A_323 = arith.constant 23 : i32
      %get3A_324 = arith.index_cast %get3A_323 : i32 to index
      %get3A_325 = arith.constant 16 : index
      %get3A_326 = tpu.vector_load %arg6[%get3A_324, %get3A_325] {strides = array<i32>} : memref<80x32xf32, #tpu.memory_space<vmem>>, vector<1x16xf32>,
      %get3A_327 = vector.shape_cast %get3A_326 : vector<1x16xf32> to vector<16xf32>
      %add3A_328 = arith.addf %add3A_316, %get3A_327 : vector<16xf32>
      %get3A_329 = arith.constant 24 : i32
      %get3A_330 = arith.index_cast %get3A_329 : i32 to index
      %get3A_331 = arith.constant 0 : index
      %get3A_332 = tpu.vector_load %arg6[%get3A_330, %get3A_331] {strides = array<i32>} : memref<80x32xf32, #tpu.memory_space<vmem>>, vector<1x16xf32>,
      %get3A_333 = vector.shape_cast %get3A_332 : vector<1x16xf32> to vector<16xf32>
      %add3A_334 = arith.addf %add3A_322, %get3A_333 : vector<16xf32>
      %get3A_335 = arith.constant 24 : i32
      %get3A_336 = arith.index_cast %get3A_335 : i32 to index
      %get3A_337 = arith.constant 16 : index
      %get3A_338 = tpu.vector_load %arg6[%get3A_336, %get3A_337] {strides = array<i32>} : memref<80x32xf32, #tpu.memory_space<vmem>>, vector<1x16xf32>,
      %get3A_339 = vector.shape_cast %get3A_338 : vector<1x16xf32> to vector<16xf32>
      %add3A_340 = arith.addf %add3A_328, %get3A_339 : vector<16xf32>
      %get3A_341 = arith.constant 25 : i32
      %get3A_342 = arith.index_cast %get3A_341 : i32 to index
      %get3A_343 = arith.constant 0 : index
      %get3A_344 = tpu.vector_load %arg6[%get3A_342, %get3A_343] {strides = array<i32>} : memref<80x32xf32, #tpu.memory_space<vmem>>, vector<1x16xf32>,
      %get3A_345 = vector.shape_cast %get3A_344 : vector<1x16xf32> to vector<16xf32>
      %add3A_346 = arith.addf %add3A_334, %get3A_345 : vector<16xf32>
      %get3A_347 = arith.constant 25 : i32
      %get3A_348 = arith.index_cast %get3A_347 : i32 to index
      %get3A_349 = arith.constant 16 : index
      %get3A_350 = tpu.vector_load %arg6[%get3A_348, %get3A_349] {strides = array<i32>} : memref<80x32xf32, #tpu.memory_space<vmem>>, vector<1x16xf32>,
      %get3A_351 = vector.shape_cast %get3A_350 : vector<1x16xf32> to vector<16xf32>
      %add3A_352 = arith.addf %add3A_340, %get3A_351 : vector<16xf32>
      %get3A_353 = arith.constant 26 : i32
      %get3A_354 = arith.index_cast %get3A_353 : i32 to index
      %get3A_355 = arith.constant 0 : index
      %get3A_356 = tpu.vector_load %arg6[%get3A_354, %get3A_355] {strides = array<i32>} : memref<80x32xf32, #tpu.memory_space<vmem>>, vector<1x16xf32>,
      %get3A_357 = vector.shape_cast %get3A_356 : vector<1x16xf32> to vector<16xf32>
      %add3A_358 = arith.addf %add3A_346, %get3A_357 : vector<16xf32>
      %get3A_359 = arith.constant 26 : i32
      %get3A_360 = arith.index_cast %get3A_359 : i32 to index
      %get3A_361 = arith.constant 16 : index
      %get3A_362 = tpu.vector_load %arg6[%get3A_360, %get3A_361] {strides = array<i32>} : memref<80x32xf32, #tpu.memory_space<vmem>>, vector<1x16xf32>,
      %get3A_363 = vector.shape_cast %get3A_362 : vector<1x16xf32> to vector<16xf32>
      %add3A_364 = arith.addf %add3A_352, %get3A_363 : vector<16xf32>
      %get3A_365 = arith.constant 27 : i32
      %get3A_366 = arith.index_cast %get3A_365 : i32 to index
      %get3A_367 = arith.constant 0 : index
      %get3A_368 = tpu.vector_load %arg6[%get3A_366, %get3A_367] {strides = array<i32>} : memref<80x32xf32, #tpu.memory_space<vmem>>, vector<1x16xf32>,
      %get3A_369 = vector.shape_cast %get3A_368 : vector<1x16xf32> to vector<16xf32>
      %add3A_370 = arith.addf %add3A_358, %get3A_369 : vector<16xf32>
      %get3A_371 = arith.constant 27 : i32
      %get3A_372 = arith.index_cast %get3A_371 : i32 to index
      %get3A_373 = arith.constant 16 : index
      %get3A_374 = tpu.vector_load %arg6[%get3A_372, %get3A_373] {strides = array<i32>} : memref<80x32xf32, #tpu.memory_space<vmem>>, vector<1x16xf32>,
      %get3A_375 = vector.shape_cast %get3A_374 : vector<1x16xf32> to vector<16xf32>
      %add3A_376 = arith.addf %add3A_364, %get3A_375 : vector<16xf32>
      %get3A_377 = arith.constant 28 : i32
      %get3A_378 = arith.index_cast %get3A_377 : i32 to index
      %get3A_379 = arith.constant 0 : index
      %get3A_380 = tpu.vector_load %arg6[%get3A_378, %get3A_379] {strides = array<i32>} : memref<80x32xf32, #tpu.memory_space<vmem>>, vector<1x16xf32>,
      %get3A_381 = vector.shape_cast %get3A_380 : vector<1x16xf32> to vector<16xf32>
      %add3A_382 = arith.addf %add3A_370, %get3A_381 : vector<16xf32>
      %get3A_383 = arith.constant 28 : i32
      %get3A_384 = arith.index_cast %get3A_383 : i32 to index
      %get3A_385 = arith.constant 16 : index
      %get3A_386 = tpu.vector_load %arg6[%get3A_384, %get3A_385] {strides = array<i32>} : memref<80x32xf32, #tpu.memory_space<vmem>>, vector<1x16xf32>,
      %get3A_387 = vector.shape_cast %get3A_386 : vector<1x16xf32> to vector<16xf32>
      %add3A_388 = arith.addf %add3A_376, %get3A_387 : vector<16xf32>
      %get3A_389 = arith.constant 29 : i32
      %get3A_390 = arith.index_cast %get3A_389 : i32 to index
      %get3A_391 = arith.constant 0 : index
      %get3A_392 = tpu.vector_load %arg6[%get3A_390, %get3A_391] {strides = array<i32>} : memref<80x32xf32, #tpu.memory_space<vmem>>, vector<1x16xf32>,
      %get3A_393 = vector.shape_cast %get3A_392 : vector<1x16xf32> to vector<16xf32>
      %add3A_394 = arith.addf %add3A_382, %get3A_393 : vector<16xf32>
      %get3A_395 = arith.constant 29 : i32
      %get3A_396 = arith.index_cast %get3A_395 : i32 to index
      %get3A_397 = arith.constant 16 : index
      %get3A_398 = tpu.vector_load %arg6[%get3A_396, %get3A_397] {strides = array<i32>} : memref<80x32xf32, #tpu.memory_space<vmem>>, vector<1x16xf32>,
      %get3A_399 = vector.shape_cast %get3A_398 : vector<1x16xf32> to vector<16xf32>
      %add3A_400 = arith.addf %add3A_388, %get3A_399 : vector<16xf32>
      %mul3A_401 = arith.constant 8 : i32
      %mul3A_402 = arith.muli %scan3A_10, %mul3A_401 : i32
      %add3A_403 = arith.constant 2 : i32
      %add3A_404 = arith.addi %mul3A_402, %add3A_403 : i32
      %swap3A_405 = arith.index_cast %add3A_404 : i32 to index
      %swap3A_406 = arith.constant 0 : index
      %swap3A_407 = tpu.vector_load %arg7[%swap3A_405, %swap3A_406] {strides = array<i32>} : memref<1024x32xf32, #tpu.memory_space<vmem>>, vector<1x16xf32>,
      %swap3A_408 = vector.shape_cast %swap3A_407 : vector<1x16xf32> to vector<16xf32>
      %swap3A_409 = vector.shape_cast %add3A_394 : vector<16xf32> to vector<1x16xf32>
      tpu.vector_store %arg7[%swap3A_405, %swap3A_406], %swap3A_409 {strides = array<i32>} : memref<1024x32xf32, #tpu.memory_space<vmem>>, vector<1x16xf32>,
      %swap3A_410 = arith.index_cast %add3A_404 : i32 to index
      %swap3A_411 = arith.constant 16 : index
      %swap3A_412 = tpu.vector_load %arg7[%swap3A_410, %swap3A_411] {strides = array<i32>} : memref<1024x32xf32, #tpu.memory_space<vmem>>, vector<1x16xf32>,
      %swap3A_413 = vector.shape_cast %swap3A_412 : vector<1x16xf32> to vector<16xf32>
      %swap3A_414 = vector.shape_cast %add3A_400 : vector<16xf32> to vector<1x16xf32>
      tpu.vector_store %arg7[%swap3A_410, %swap3A_411], %swap3A_414 {strides = array<i32>} : memref<1024x32xf32, #tpu.memory_space<vmem>>, vector<1x16xf32>,
      %get3A_415 = arith.constant 30 : i32
      %get3A_416 = arith.index_cast %get3A_415 : i32 to index
      %get3A_417 = arith.constant 0 : index
      %get3A_418 = tpu.vector_load %arg6[%get3A_416, %get3A_417] {strides = array<i32>} : memref<80x32xf32, #tpu.memory_space<vmem>>, vector<1x16xf32>,
      %get3A_419 = vector.shape_cast %get3A_418 : vector<1x16xf32> to vector<16xf32>
      %get3A_420 = arith.constant 30 : i32
      %get3A_421 = arith.index_cast %get3A_420 : i32 to index
      %get3A_422 = arith.constant 16 : index
      %get3A_423 = tpu.vector_load %arg6[%get3A_421, %get3A_422] {strides = array<i32>} : memref<80x32xf32, #tpu.memory_space<vmem>>, vector<1x16xf32>,
      %get3A_424 = vector.shape_cast %get3A_423 : vector<1x16xf32> to vector<16xf32>
      %get3A_425 = arith.constant 31 : i32
      %get3A_426 = arith.index_cast %get3A_425 : i32 to index
      %get3A_427 = arith.constant 0 : index
      %get3A_428 = tpu.vector_load %arg6[%get3A_426, %get3A_427] {strides = array<i32>} : memref<80x32xf32, #tpu.memory_space<vmem>>, vector<1x16xf32>,
      %get3A_429 = vector.shape_cast %get3A_428 : vector<1x16xf32> to vector<16xf32>
      %add3A_430 = arith.addf %get3A_419, %get3A_429 : vector<16xf32>
      %get3A_431 = arith.constant 31 : i32
      %get3A_432 = arith.index_cast %get3A_431 : i32 to index
      %get3A_433 = arith.constant 16 : index
      %get3A_434 = tpu.vector_load %arg6[%get3A_432, %get3A_433] {strides = array<i32>} : memref<80x32xf32, #tpu.memory_space<vmem>>, vector<1x16xf32>,
      %get3A_435 = vector.shape_cast %get3A_434 : vector<1x16xf32> to vector<16xf32>
      %add3A_436 = arith.addf %get3A_424, %get3A_435 : vector<16xf32>
      %get3A_437 = arith.constant 32 : i32
      %get3A_438 = arith.index_cast %get3A_437 : i32 to index
      %get3A_439 = arith.constant 0 : index
      %get3A_440 = tpu.vector_load %arg6[%get3A_438, %get3A_439] {strides = array<i32>} : memref<80x32xf32, #tpu.memory_space<vmem>>, vector<1x16xf32>,
      %get3A_441 = vector.shape_cast %get3A_440 : vector<1x16xf32> to vector<16xf32>
      %add3A_442 = arith.addf %add3A_430, %get3A_441 : vector<16xf32>
      %get3A_443 = arith.constant 32 : i32
      %get3A_444 = arith.index_cast %get3A_443 : i32 to index
      %get3A_445 = arith.constant 16 : index
      %get3A_446 = tpu.vector_load %arg6[%get3A_444, %get3A_445] {strides = array<i32>} : memref<80x32xf32, #tpu.memory_space<vmem>>, vector<1x16xf32>,
      %get3A_447 = vector.shape_cast %get3A_446 : vector<1x16xf32> to vector<16xf32>
      %add3A_448 = arith.addf %add3A_436, %get3A_447 : vector<16xf32>
      %get3A_449 = arith.constant 33 : i32
      %get3A_450 = arith.index_cast %get3A_449 : i32 to index
      %get3A_451 = arith.constant 0 : index
      %get3A_452 = tpu.vector_load %arg6[%get3A_450, %get3A_451] {strides = array<i32>} : memref<80x32xf32, #tpu.memory_space<vmem>>, vector<1x16xf32>,
      %get3A_453 = vector.shape_cast %get3A_452 : vector<1x16xf32> to vector<16xf32>
      %add3A_454 = arith.addf %add3A_442, %get3A_453 : vector<16xf32>
      %get3A_455 = arith.constant 33 : i32
      %get3A_456 = arith.index_cast %get3A_455 : i32 to index
      %get3A_457 = arith.constant 16 : index
      %get3A_458 = tpu.vector_load %arg6[%get3A_456, %get3A_457] {strides = array<i32>} : memref<80x32xf32, #tpu.memory_space<vmem>>, vector<1x16xf32>,
      %get3A_459 = vector.shape_cast %get3A_458 : vector<1x16xf32> to vector<16xf32>
      %add3A_460 = arith.addf %add3A_448, %get3A_459 : vector<16xf32>
      %get3A_461 = arith.constant 34 : i32
      %get3A_462 = arith.index_cast %get3A_461 : i32 to index
      %get3A_463 = arith.constant 0 : index
      %get3A_464 = tpu.vector_load %arg6[%get3A_462, %get3A_463] {strides = array<i32>} : memref<80x32xf32, #tpu.memory_space<vmem>>, vector<1x16xf32>,
      %get3A_465 = vector.shape_cast %get3A_464 : vector<1x16xf32> to vector<16xf32>
      %add3A_466 = arith.addf %add3A_454, %get3A_465 : vector<16xf32>
      %get3A_467 = arith.constant 34 : i32
      %get3A_468 = arith.index_cast %get3A_467 : i32 to index
      %get3A_469 = arith.constant 16 : index
      %get3A_470 = tpu.vector_load %arg6[%get3A_468, %get3A_469] {strides = array<i32>} : memref<80x32xf32, #tpu.memory_space<vmem>>, vector<1x16xf32>,
      %get3A_471 = vector.shape_cast %get3A_470 : vector<1x16xf32> to vector<16xf32>
      %add3A_472 = arith.addf %add3A_460, %get3A_471 : vector<16xf32>
      %get3A_473 = arith.constant 35 : i32
      %get3A_474 = arith.index_cast %get3A_473 : i32 to index
      %get3A_475 = arith.constant 0 : index
      %get3A_476 = tpu.vector_load %arg6[%get3A_474, %get3A_475] {strides = array<i32>} : memref<80x32xf32, #tpu.memory_space<vmem>>, vector<1x16xf32>,
      %get3A_477 = vector.shape_cast %get3A_476 : vector<1x16xf32> to vector<16xf32>
      %add3A_478 = arith.addf %add3A_466, %get3A_477 : vector<16xf32>
      %get3A_479 = arith.constant 35 : i32
      %get3A_480 = arith.index_cast %get3A_479 : i32 to index
      %get3A_481 = arith.constant 16 : index
      %get3A_482 = tpu.vector_load %arg6[%get3A_480, %get3A_481] {strides = array<i32>} : memref<80x32xf32, #tpu.memory_space<vmem>>, vector<1x16xf32>,
      %get3A_483 = vector.shape_cast %get3A_482 : vector<1x16xf32> to vector<16xf32>
      %add3A_484 = arith.addf %add3A_472, %get3A_483 : vector<16xf32>
      %get3A_485 = arith.constant 36 : i32
      %get3A_486 = arith.index_cast %get3A_485 : i32 to index
      %get3A_487 = arith.constant 0 : index
      %get3A_488 = tpu.vector_load %arg6[%get3A_486, %get3A_487] {strides = array<i32>} : memref<80x32xf32, #tpu.memory_space<vmem>>, vector<1x16xf32>,
      %get3A_489 = vector.shape_cast %get3A_488 : vector<1x16xf32> to vector<16xf32>
      %add3A_490 = arith.addf %add3A_478, %get3A_489 : vector<16xf32>
      %get3A_491 = arith.constant 36 : i32
      %get3A_492 = arith.index_cast %get3A_491 : i32 to index
      %get3A_493 = arith.constant 16 : index
      %get3A_494 = tpu.vector_load %arg6[%get3A_492, %get3A_493] {strides = array<i32>} : memref<80x32xf32, #tpu.memory_space<vmem>>, vector<1x16xf32>,
      %get3A_495 = vector.shape_cast %get3A_494 : vector<1x16xf32> to vector<16xf32>
      %add3A_496 = arith.addf %add3A_484, %get3A_495 : vector<16xf32>
      %get3A_497 = arith.constant 37 : i32
      %get3A_498 = arith.index_cast %get3A_497 : i32 to index
      %get3A_499 = arith.constant 0 : index
      %get3A_500 = tpu.vector_load %arg6[%get3A_498, %get3A_499] {strides = array<i32>} : memref<80x32xf32, #tpu.memory_space<vmem>>, vector<1x16xf32>,
      %get3A_501 = vector.shape_cast %get3A_500 : vector<1x16xf32> to vector<16xf32>
      %add3A_502 = arith.addf %add3A_490, %get3A_501 : vector<16xf32>
      %get3A_503 = arith.constant 37 : i32
      %get3A_504 = arith.index_cast %get3A_503 : i32 to index
      %get3A_505 = arith.constant 16 : index
      %get3A_506 = tpu.vector_load %arg6[%get3A_504, %get3A_505] {strides = array<i32>} : memref<80x32xf32, #tpu.memory_space<vmem>>, vector<1x16xf32>,
      %get3A_507 = vector.shape_cast %get3A_506 : vector<1x16xf32> to vector<16xf32>
      %add3A_508 = arith.addf %add3A_496, %get3A_507 : vector<16xf32>
      %get3A_509 = arith.constant 38 : i32
      %get3A_510 = arith.index_cast %get3A_509 : i32 to index
      %get3A_511 = arith.constant 0 : index
      %get3A_512 = tpu.vector_load %arg6[%get3A_510, %get3A_511] {strides = array<i32>} : memref<80x32xf32, #tpu.memory_space<vmem>>, vector<1x16xf32>,
      %get3A_513 = vector.shape_cast %get3A_512 : vector<1x16xf32> to vector<16xf32>
      %add3A_514 = arith.addf %add3A_502, %get3A_513 : vector<16xf32>
      %get3A_515 = arith.constant 38 : i32
      %get3A_516 = arith.index_cast %get3A_515 : i32 to index
      %get3A_517 = arith.constant 16 : index
      %get3A_518 = tpu.vector_load %arg6[%get3A_516, %get3A_517] {strides = array<i32>} : memref<80x32xf32, #tpu.memory_space<vmem>>, vector<1x16xf32>,
      %get3A_519 = vector.shape_cast %get3A_518 : vector<1x16xf32> to vector<16xf32>
      %add3A_520 = arith.addf %add3A_508, %get3A_519 : vector<16xf32>
      %get3A_521 = arith.constant 39 : i32
      %get3A_522 = arith.index_cast %get3A_521 : i32 to index
      %get3A_523 = arith.constant 0 : index
      %get3A_524 = tpu.vector_load %arg6[%get3A_522, %get3A_523] {strides = array<i32>} : memref<80x32xf32, #tpu.memory_space<vmem>>, vector<1x16xf32>,
      %get3A_525 = vector.shape_cast %get3A_524 : vector<1x16xf32> to vector<16xf32>
      %add3A_526 = arith.addf %add3A_514, %get3A_525 : vector<16xf32>
      %get3A_527 = arith.constant 39 : i32
      %get3A_528 = arith.index_cast %get3A_527 : i32 to index
      %get3A_529 = arith.constant 16 : index
      %get3A_530 = tpu.vector_load %arg6[%get3A_528, %get3A_529] {strides = array<i32>} : memref<80x32xf32, #tpu.memory_space<vmem>>, vector<1x16xf32>,
      %get3A_531 = vector.shape_cast %get3A_530 : vector<1x16xf32> to vector<16xf32>
      %add3A_532 = arith.addf %add3A_520, %get3A_531 : vector<16xf32>
      %mul3A_533 = arith.constant 8 : i32
      %mul3A_534 = arith.muli %scan3A_10, %mul3A_533 : i32
      %add3A_535 = arith.constant 3 : i32
      %add3A_536 = arith.addi %mul3A_534, %add3A_535 : i32
      %swap3A_537 = arith.index_cast %add3A_536 : i32 to index
      %swap3A_538 = arith.constant 0 : index
      %swap3A_539 = tpu.vector_load %arg7[%swap3A_537, %swap3A_538] {strides = array<i32>} : memref<1024x32xf32, #tpu.memory_space<vmem>>, vector<1x16xf32>,
      %swap3A_540 = vector.shape_cast %swap3A_539 : vector<1x16xf32> to vector<16xf32>
      %swap3A_541 = vector.shape_cast %add3A_526 : vector<16xf32> to vector<1x16xf32>
      tpu.vector_store %arg7[%swap3A_537, %swap3A_538], %swap3A_541 {strides = array<i32>} : memref<1024x32xf32, #tpu.memory_space<vmem>>, vector<1x16xf32>,
      %swap3A_542 = arith.index_cast %add3A_536 : i32 to index
      %swap3A_543 = arith.constant 16 : index
      %swap3A_544 = tpu.vector_load %arg7[%swap3A_542, %swap3A_543] {strides = array<i32>} : memref<1024x32xf32, #tpu.memory_space<vmem>>, vector<1x16xf32>,
      %swap3A_545 = vector.shape_cast %swap3A_544 : vector<1x16xf32> to vector<16xf32>
      %swap3A_546 = vector.shape_cast %add3A_532 : vector<16xf32> to vector<1x16xf32>
      tpu.vector_store %arg7[%swap3A_542, %swap3A_543], %swap3A_546 {strides = array<i32>} : memref<1024x32xf32, #tpu.memory_space<vmem>>, vector<1x16xf32>,
      %get3A_547 = arith.constant 40 : i32
      %get3A_548 = arith.index_cast %get3A_547 : i32 to index
      %get3A_549 = arith.constant 0 : index
      %get3A_550 = tpu.vector_load %arg6[%get3A_548, %get3A_549] {strides = array<i32>} : memref<80x32xf32, #tpu.memory_space<vmem>>, vector<1x16xf32>,
      %get3A_551 = vector.shape_cast %get3A_550 : vector<1x16xf32> to vector<16xf32>
      %get3A_552 = arith.constant 40 : i32
      %get3A_553 = arith.index_cast %get3A_552 : i32 to index
      %get3A_554 = arith.constant 16 : index
      %get3A_555 = tpu.vector_load %arg6[%get3A_553, %get3A_554] {strides = array<i32>} : memref<80x32xf32, #tpu.memory_space<vmem>>, vector<1x16xf32>,
      %get3A_556 = vector.shape_cast %get3A_555 : vector<1x16xf32> to vector<16xf32>
      %get3A_557 = arith.constant 41 : i32
      %get3A_558 = arith.index_cast %get3A_557 : i32 to index
      %get3A_559 = arith.constant 0 : index
      %get3A_560 = tpu.vector_load %arg6[%get3A_558, %get3A_559] {strides = array<i32>} : memref<80x32xf32, #tpu.memory_space<vmem>>, vector<1x16xf32>,
      %get3A_561 = vector.shape_cast %get3A_560 : vector<1x16xf32> to vector<16xf32>
      %add3A_562 = arith.addf %get3A_551, %get3A_561 : vector<16xf32>
      %get3A_563 = arith.constant 41 : i32
      %get3A_564 = arith.index_cast %get3A_563 : i32 to index
      %get3A_565 = arith.constant 16 : index
      %get3A_566 = tpu.vector_load %arg6[%get3A_564, %get3A_565] {strides = array<i32>} : memref<80x32xf32, #tpu.memory_space<vmem>>, vector<1x16xf32>,
      %get3A_567 = vector.shape_cast %get3A_566 : vector<1x16xf32> to vector<16xf32>
      %add3A_568 = arith.addf %get3A_556, %get3A_567 : vector<16xf32>
      %get3A_569 = arith.constant 42 : i32
      %get3A_570 = arith.index_cast %get3A_569 : i32 to index
      %get3A_571 = arith.constant 0 : index
      %get3A_572 = tpu.vector_load %arg6[%get3A_570, %get3A_571] {strides = array<i32>} : memref<80x32xf32, #tpu.memory_space<vmem>>, vector<1x16xf32>,
      %get3A_573 = vector.shape_cast %get3A_572 : vector<1x16xf32> to vector<16xf32>
      %add3A_574 = arith.addf %add3A_562, %get3A_573 : vector<16xf32>
      %get3A_575 = arith.constant 42 : i32
      %get3A_576 = arith.index_cast %get3A_575 : i32 to index
      %get3A_577 = arith.constant 16 : index
      %get3A_578 = tpu.vector_load %arg6[%get3A_576, %get3A_577] {strides = array<i32>} : memref<80x32xf32, #tpu.memory_space<vmem>>, vector<1x16xf32>,
      %get3A_579 = vector.shape_cast %get3A_578 : vector<1x16xf32> to vector<16xf32>
      %add3A_580 = arith.addf %add3A_568, %get3A_579 : vector<16xf32>
      %get3A_581 = arith.constant 43 : i32
      %get3A_582 = arith.index_cast %get3A_581 : i32 to index
      %get3A_583 = arith.constant 0 : index
      %get3A_584 = tpu.vector_load %arg6[%get3A_582, %get3A_583] {strides = array<i32>} : memref<80x32xf32, #tpu.memory_space<vmem>>, vector<1x16xf32>,
      %get3A_585 = vector.shape_cast %get3A_584 : vector<1x16xf32> to vector<16xf32>
      %add3A_586 = arith.addf %add3A_574, %get3A_585 : vector<16xf32>
      %get3A_587 = arith.constant 43 : i32
      %get3A_588 = arith.index_cast %get3A_587 : i32 to index
      %get3A_589 = arith.constant 16 : index
      %get3A_590 = tpu.vector_load %arg6[%get3A_588, %get3A_589] {strides = array<i32>} : memref<80x32xf32, #tpu.memory_space<vmem>>, vector<1x16xf32>,
      %get3A_591 = vector.shape_cast %get3A_590 : vector<1x16xf32> to vector<16xf32>
      %add3A_592 = arith.addf %add3A_580, %get3A_591 : vector<16xf32>
      %get3A_593 = arith.constant 44 : i32
      %get3A_594 = arith.index_cast %get3A_593 : i32 to index
      %get3A_595 = arith.constant 0 : index
      %get3A_596 = tpu.vector_load %arg6[%get3A_594, %get3A_595] {strides = array<i32>} : memref<80x32xf32, #tpu.memory_space<vmem>>, vector<1x16xf32>,
      %get3A_597 = vector.shape_cast %get3A_596 : vector<1x16xf32> to vector<16xf32>
      %add3A_598 = arith.addf %add3A_586, %get3A_597 : vector<16xf32>
      %get3A_599 = arith.constant 44 : i32
      %get3A_600 = arith.index_cast %get3A_599 : i32 to index
      %get3A_601 = arith.constant 16 : index
      %get3A_602 = tpu.vector_load %arg6[%get3A_600, %get3A_601] {strides = array<i32>} : memref<80x32xf32, #tpu.memory_space<vmem>>, vector<1x16xf32>,
      %get3A_603 = vector.shape_cast %get3A_602 : vector<1x16xf32> to vector<16xf32>
      %add3A_604 = arith.addf %add3A_592, %get3A_603 : vector<16xf32>
      %get3A_605 = arith.constant 45 : i32
      %get3A_606 = arith.index_cast %get3A_605 : i32 to index
      %get3A_607 = arith.constant 0 : index
      %get3A_608 = tpu.vector_load %arg6[%get3A_606, %get3A_607] {strides = array<i32>} : memref<80x32xf32, #tpu.memory_space<vmem>>, vector<1x16xf32>,
      %get3A_609 = vector.shape_cast %get3A_608 : vector<1x16xf32> to vector<16xf32>
      %add3A_610 = arith.addf %add3A_598, %get3A_609 : vector<16xf32>
      %get3A_611 = arith.constant 45 : i32
      %get3A_612 = arith.index_cast %get3A_611 : i32 to index
      %get3A_613 = arith.constant 16 : index
      %get3A_614 = tpu.vector_load %arg6[%get3A_612, %get3A_613] {strides = array<i32>} : memref<80x32xf32, #tpu.memory_space<vmem>>, vector<1x16xf32>,
      %get3A_615 = vector.shape_cast %get3A_614 : vector<1x16xf32> to vector<16xf32>
      %add3A_616 = arith.addf %add3A_604, %get3A_615 : vector<16xf32>
      %get3A_617 = arith.constant 46 : i32
      %get3A_618 = arith.index_cast %get3A_617 : i32 to index
      %get3A_619 = arith.constant 0 : index
      %get3A_620 = tpu.vector_load %arg6[%get3A_618, %get3A_619] {strides = array<i32>} : memref<80x32xf32, #tpu.memory_space<vmem>>, vector<1x16xf32>,
      %get3A_621 = vector.shape_cast %get3A_620 : vector<1x16xf32> to vector<16xf32>
      %add3A_622 = arith.addf %add3A_610, %get3A_621 : vector<16xf32>
      %get3A_623 = arith.constant 46 : i32
      %get3A_624 = arith.index_cast %get3A_623 : i32 to index
      %get3A_625 = arith.constant 16 : index
      %get3A_626 = tpu.vector_load %arg6[%get3A_624, %get3A_625] {strides = array<i32>} : memref<80x32xf32, #tpu.memory_space<vmem>>, vector<1x16xf32>,
      %get3A_627 = vector.shape_cast %get3A_626 : vector<1x16xf32> to vector<16xf32>
      %add3A_628 = arith.addf %add3A_616, %get3A_627 : vector<16xf32>
      %get3A_629 = arith.constant 47 : i32
      %get3A_630 = arith.index_cast %get3A_629 : i32 to index
      %get3A_631 = arith.constant 0 : index
      %get3A_632 = tpu.vector_load %arg6[%get3A_630, %get3A_631] {strides = array<i32>} : memref<80x32xf32, #tpu.memory_space<vmem>>, vector<1x16xf32>,
      %get3A_633 = vector.shape_cast %get3A_632 : vector<1x16xf32> to vector<16xf32>
      %add3A_634 = arith.addf %add3A_622, %get3A_633 : vector<16xf32>
      %get3A_635 = arith.constant 47 : i32
      %get3A_636 = arith.index_cast %get3A_635 : i32 to index
      %get3A_637 = arith.constant 16 : index
      %get3A_638 = tpu.vector_load %arg6[%get3A_636, %get3A_637] {strides = array<i32>} : memref<80x32xf32, #tpu.memory_space<vmem>>, vector<1x16xf32>,
      %get3A_639 = vector.shape_cast %get3A_638 : vector<1x16xf32> to vector<16xf32>
      %add3A_640 = arith.addf %add3A_628, %get3A_639 : vector<16xf32>
      %get3A_641 = arith.constant 48 : i32
      %get3A_642 = arith.index_cast %get3A_641 : i32 to index
      %get3A_643 = arith.constant 0 : index
      %get3A_644 = tpu.vector_load %arg6[%get3A_642, %get3A_643] {strides = array<i32>} : memref<80x32xf32, #tpu.memory_space<vmem>>, vector<1x16xf32>,
      %get3A_645 = vector.shape_cast %get3A_644 : vector<1x16xf32> to vector<16xf32>
      %add3A_646 = arith.addf %add3A_634, %get3A_645 : vector<16xf32>
      %get3A_647 = arith.constant 48 : i32
      %get3A_648 = arith.index_cast %get3A_647 : i32 to index
      %get3A_649 = arith.constant 16 : index
      %get3A_650 = tpu.vector_load %arg6[%get3A_648, %get3A_649] {strides = array<i32>} : memref<80x32xf32, #tpu.memory_space<vmem>>, vector<1x16xf32>,
      %get3A_651 = vector.shape_cast %get3A_650 : vector<1x16xf32> to vector<16xf32>
      %add3A_652 = arith.addf %add3A_640, %get3A_651 : vector<16xf32>
      %get3A_653 = arith.constant 49 : i32
      %get3A_654 = arith.index_cast %get3A_653 : i32 to index
      %get3A_655 = arith.constant 0 : index
      %get3A_656 = tpu.vector_load %arg6[%get3A_654, %get3A_655] {strides = array<i32>} : memref<80x32xf32, #tpu.memory_space<vmem>>, vector<1x16xf32>,
      %get3A_657 = vector.shape_cast %get3A_656 : vector<1x16xf32> to vector<16xf32>
      %add3A_658 = arith.addf %add3A_646, %get3A_657 : vector<16xf32>
      %get3A_659 = arith.constant 49 : i32
      %get3A_660 = arith.index_cast %get3A_659 : i32 to index
      %get3A_661 = arith.constant 16 : index
      %get3A_662 = tpu.vector_load %arg6[%get3A_660, %get3A_661] {strides = array<i32>} : memref<80x32xf32, #tpu.memory_space<vmem>>, vector<1x16xf32>,
      %get3A_663 = vector.shape_cast %get3A_662 : vector<1x16xf32> to vector<16xf32>
      %add3A_664 = arith.addf %add3A_652, %get3A_663 : vector<16xf32>
      %mul3A_665 = arith.constant 8 : i32
      %mul3A_666 = arith.muli %scan3A_10, %mul3A_665 : i32
      %add3A_667 = arith.constant 4 : i32
      %add3A_668 = arith.addi %mul3A_666, %add3A_667 : i32
      %swap3A_669 = arith.index_cast %add3A_668 : i32 to index
      %swap3A_670 = arith.constant 0 : index
      %swap3A_671 = tpu.vector_load %arg7[%swap3A_669, %swap3A_670] {strides = array<i32>} : memref<1024x32xf32, #tpu.memory_space<vmem>>, vector<1x16xf32>,
      %swap3A_672 = vector.shape_cast %swap3A_671 : vector<1x16xf32> to vector<16xf32>
      %swap3A_673 = vector.shape_cast %add3A_658 : vector<16xf32> to vector<1x16xf32>
      tpu.vector_store %arg7[%swap3A_669, %swap3A_670], %swap3A_673 {strides = array<i32>} : memref<1024x32xf32, #tpu.memory_space<vmem>>, vector<1x16xf32>,
      %swap3A_674 = arith.index_cast %add3A_668 : i32 to index
      %swap3A_675 = arith.constant 16 : index
      %swap3A_676 = tpu.vector_load %arg7[%swap3A_674, %swap3A_675] {strides = array<i32>} : memref<1024x32xf32, #tpu.memory_space<vmem>>, vector<1x16xf32>,
      %swap3A_677 = vector.shape_cast %swap3A_676 : vector<1x16xf32> to vector<16xf32>
      %swap3A_678 = vector.shape_cast %add3A_664 : vector<16xf32> to vector<1x16xf32>
      tpu.vector_store %arg7[%swap3A_674, %swap3A_675], %swap3A_678 {strides = array<i32>} : memref<1024x32xf32, #tpu.memory_space<vmem>>, vector<1x16xf32>,
      %get3A_679 = arith.constant 50 : i32
      %get3A_680 = arith.index_cast %get3A_679 : i32 to index
      %get3A_681 = arith.constant 0 : index
      %get3A_682 = tpu.vector_load %arg6[%get3A_680, %get3A_681] {strides = array<i32>} : memref<80x32xf32, #tpu.memory_space<vmem>>, vector<1x16xf32>,
      %get3A_683 = vector.shape_cast %get3A_682 : vector<1x16xf32> to vector<16xf32>
      %get3A_684 = arith.constant 50 : i32
      %get3A_685 = arith.index_cast %get3A_684 : i32 to index
      %get3A_686 = arith.constant 16 : index
      %get3A_687 = tpu.vector_load %arg6[%get3A_685, %get3A_686] {strides = array<i32>} : memref<80x32xf32, #tpu.memory_space<vmem>>, vector<1x16xf32>,
      %get3A_688 = vector.shape_cast %get3A_687 : vector<1x16xf32> to vector<16xf32>
      %get3A_689 = arith.constant 51 : i32
      %get3A_690 = arith.index_cast %get3A_689 : i32 to index
      %get3A_691 = arith.constant 0 : index
      %get3A_692 = tpu.vector_load %arg6[%get3A_690, %get3A_691] {strides = array<i32>} : memref<80x32xf32, #tpu.memory_space<vmem>>, vector<1x16xf32>,
      %get3A_693 = vector.shape_cast %get3A_692 : vector<1x16xf32> to vector<16xf32>
      %add3A_694 = arith.addf %get3A_683, %get3A_693 : vector<16xf32>
      %get3A_695 = arith.constant 51 : i32
      %get3A_696 = arith.index_cast %get3A_695 : i32 to index
      %get3A_697 = arith.constant 16 : index
      %get3A_698 = tpu.vector_load %arg6[%get3A_696, %get3A_697] {strides = array<i32>} : memref<80x32xf32, #tpu.memory_space<vmem>>, vector<1x16xf32>,
      %get3A_699 = vector.shape_cast %get3A_698 : vector<1x16xf32> to vector<16xf32>
      %add3A_700 = arith.addf %get3A_688, %get3A_699 : vector<16xf32>
      %get3A_701 = arith.constant 52 : i32
      %get3A_702 = arith.index_cast %get3A_701 : i32 to index
      %get3A_703 = arith.constant 0 : index
      %get3A_704 = tpu.vector_load %arg6[%get3A_702, %get3A_703] {strides = array<i32>} : memref<80x32xf32, #tpu.memory_space<vmem>>, vector<1x16xf32>,
      %get3A_705 = vector.shape_cast %get3A_704 : vector<1x16xf32> to vector<16xf32>
      %add3A_706 = arith.addf %add3A_694, %get3A_705 : vector<16xf32>
      %get3A_707 = arith.constant 52 : i32
      %get3A_708 = arith.index_cast %get3A_707 : i32 to index
      %get3A_709 = arith.constant 16 : index
      %get3A_710 = tpu.vector_load %arg6[%get3A_708, %get3A_709] {strides = array<i32>} : memref<80x32xf32, #tpu.memory_space<vmem>>, vector<1x16xf32>,
      %get3A_711 = vector.shape_cast %get3A_710 : vector<1x16xf32> to vector<16xf32>
      %add3A_712 = arith.addf %add3A_700, %get3A_711 : vector<16xf32>
      %get3A_713 = arith.constant 53 : i32
      %get3A_714 = arith.index_cast %get3A_713 : i32 to index
      %get3A_715 = arith.constant 0 : index
      %get3A_716 = tpu.vector_load %arg6[%get3A_714, %get3A_715] {strides = array<i32>} : memref<80x32xf32, #tpu.memory_space<vmem>>, vector<1x16xf32>,
      %get3A_717 = vector.shape_cast %get3A_716 : vector<1x16xf32> to vector<16xf32>
      %add3A_718 = arith.addf %add3A_706, %get3A_717 : vector<16xf32>
      %get3A_719 = arith.constant 53 : i32
      %get3A_720 = arith.index_cast %get3A_719 : i32 to index
      %get3A_721 = arith.constant 16 : index
      %get3A_722 = tpu.vector_load %arg6[%get3A_720, %get3A_721] {strides = array<i32>} : memref<80x32xf32, #tpu.memory_space<vmem>>, vector<1x16xf32>,
      %get3A_723 = vector.shape_cast %get3A_722 : vector<1x16xf32> to vector<16xf32>
      %add3A_724 = arith.addf %add3A_712, %get3A_723 : vector<16xf32>
      %get3A_725 = arith.constant 54 : i32
      %get3A_726 = arith.index_cast %get3A_725 : i32 to index
      %get3A_727 = arith.constant 0 : index
      %get3A_728 = tpu.vector_load %arg6[%get3A_726, %get3A_727] {strides = array<i32>} : memref<80x32xf32, #tpu.memory_space<vmem>>, vector<1x16xf32>,
      %get3A_729 = vector.shape_cast %get3A_728 : vector<1x16xf32> to vector<16xf32>
      %add3A_730 = arith.addf %add3A_718, %get3A_729 : vector<16xf32>
      %get3A_731 = arith.constant 54 : i32
      %get3A_732 = arith.index_cast %get3A_731 : i32 to index
      %get3A_733 = arith.constant 16 : index
      %get3A_734 = tpu.vector_load %arg6[%get3A_732, %get3A_733] {strides = array<i32>} : memref<80x32xf32, #tpu.memory_space<vmem>>, vector<1x16xf32>,
      %get3A_735 = vector.shape_cast %get3A_734 : vector<1x16xf32> to vector<16xf32>
      %add3A_736 = arith.addf %add3A_724, %get3A_735 : vector<16xf32>
      %get3A_737 = arith.constant 55 : i32
      %get3A_738 = arith.index_cast %get3A_737 : i32 to index
      %get3A_739 = arith.constant 0 : index
      %get3A_740 = tpu.vector_load %arg6[%get3A_738, %get3A_739] {strides = array<i32>} : memref<80x32xf32, #tpu.memory_space<vmem>>, vector<1x16xf32>,
      %get3A_741 = vector.shape_cast %get3A_740 : vector<1x16xf32> to vector<16xf32>
      %add3A_742 = arith.addf %add3A_730, %get3A_741 : vector<16xf32>
      %get3A_743 = arith.constant 55 : i32
      %get3A_744 = arith.index_cast %get3A_743 : i32 to index
      %get3A_745 = arith.constant 16 : index
      %get3A_746 = tpu.vector_load %arg6[%get3A_744, %get3A_745] {strides = array<i32>} : memref<80x32xf32, #tpu.memory_space<vmem>>, vector<1x16xf32>,
      %get3A_747 = vector.shape_cast %get3A_746 : vector<1x16xf32> to vector<16xf32>
      %add3A_748 = arith.addf %add3A_736, %get3A_747 : vector<16xf32>
      %get3A_749 = arith.constant 56 : i32
      %get3A_750 = arith.index_cast %get3A_749 : i32 to index
      %get3A_751 = arith.constant 0 : index
      %get3A_752 = tpu.vector_load %arg6[%get3A_750, %get3A_751] {strides = array<i32>} : memref<80x32xf32, #tpu.memory_space<vmem>>, vector<1x16xf32>,
      %get3A_753 = vector.shape_cast %get3A_752 : vector<1x16xf32> to vector<16xf32>
      %add3A_754 = arith.addf %add3A_742, %get3A_753 : vector<16xf32>
      %get3A_755 = arith.constant 56 : i32
      %get3A_756 = arith.index_cast %get3A_755 : i32 to index
      %get3A_757 = arith.constant 16 : index
      %get3A_758 = tpu.vector_load %arg6[%get3A_756, %get3A_757] {strides = array<i32>} : memref<80x32xf32, #tpu.memory_space<vmem>>, vector<1x16xf32>,
      %get3A_759 = vector.shape_cast %get3A_758 : vector<1x16xf32> to vector<16xf32>
      %add3A_760 = arith.addf %add3A_748, %get3A_759 : vector<16xf32>
      %get3A_761 = arith.constant 57 : i32
      %get3A_762 = arith.index_cast %get3A_761 : i32 to index
      %get3A_763 = arith.constant 0 : index
      %get3A_764 = tpu.vector_load %arg6[%get3A_762, %get3A_763] {strides = array<i32>} : memref<80x32xf32, #tpu.memory_space<vmem>>, vector<1x16xf32>,
      %get3A_765 = vector.shape_cast %get3A_764 : vector<1x16xf32> to vector<16xf32>
      %add3A_766 = arith.addf %add3A_754, %get3A_765 : vector<16xf32>
      %get3A_767 = arith.constant 57 : i32
      %get3A_768 = arith.index_cast %get3A_767 : i32 to index
      %get3A_769 = arith.constant 16 : index
      %get3A_770 = tpu.vector_load %arg6[%get3A_768, %get3A_769] {strides = array<i32>} : memref<80x32xf32, #tpu.memory_space<vmem>>, vector<1x16xf32>,
      %get3A_771 = vector.shape_cast %get3A_770 : vector<1x16xf32> to vector<16xf32>
      %add3A_772 = arith.addf %add3A_760, %get3A_771 : vector<16xf32>
      %get3A_773 = arith.constant 58 : i32
      %get3A_774 = arith.index_cast %get3A_773 : i32 to index
      %get3A_775 = arith.constant 0 : index
      %get3A_776 = tpu.vector_load %arg6[%get3A_774, %get3A_775] {strides = array<i32>} : memref<80x32xf32, #tpu.memory_space<vmem>>, vector<1x16xf32>,
      %get3A_777 = vector.shape_cast %get3A_776 : vector<1x16xf32> to vector<16xf32>
      %add3A_778 = arith.addf %add3A_766, %get3A_777 : vector<16xf32>
      %get3A_779 = arith.constant 58 : i32
      %get3A_780 = arith.index_cast %get3A_779 : i32 to index
      %get3A_781 = arith.constant 16 : index
      %get3A_782 = tpu.vector_load %arg6[%get3A_780, %get3A_781] {strides = array<i32>} : memref<80x32xf32, #tpu.memory_space<vmem>>, vector<1x16xf32>,
      %get3A_783 = vector.shape_cast %get3A_782 : vector<1x16xf32> to vector<16xf32>
      %add3A_784 = arith.addf %add3A_772, %get3A_783 : vector<16xf32>
      %get3A_785 = arith.constant 59 : i32
      %get3A_786 = arith.index_cast %get3A_785 : i32 to index
      %get3A_787 = arith.constant 0 : index
      %get3A_788 = tpu.vector_load %arg6[%get3A_786, %get3A_787] {strides = array<i32>} : memref<80x32xf32, #tpu.memory_space<vmem>>, vector<1x16xf32>,
      %get3A_789 = vector.shape_cast %get3A_788 : vector<1x16xf32> to vector<16xf32>
      %add3A_790 = arith.addf %add3A_778, %get3A_789 : vector<16xf32>
      %get3A_791 = arith.constant 59 : i32
      %get3A_792 = arith.index_cast %get3A_791 : i32 to index
      %get3A_793 = arith.constant 16 : index
      %get3A_794 = tpu.vector_load %arg6[%get3A_792, %get3A_793] {strides = array<i32>} : memref<80x32xf32, #tpu.memory_space<vmem>>, vector<1x16xf32>,
      %get3A_795 = vector.shape_cast %get3A_794 : vector<1x16xf32> to vector<16xf32>
      %add3A_796 = arith.addf %add3A_784, %get3A_795 : vector<16xf32>
      %mul3A_797 = arith.constant 8 : i32
      %mul3A_798 = arith.muli %scan3A_10, %mul3A_797 : i32
      %add3A_799 = arith.constant 5 : i32
      %add3A_800 = arith.addi %mul3A_798, %add3A_799 : i32
      %swap3A_801 = arith.index_cast %add3A_800 : i32 to index
      %swap3A_802 = arith.constant 0 : index
      %swap3A_803 = tpu.vector_load %arg7[%swap3A_801, %swap3A_802] {strides = array<i32>} : memref<1024x32xf32, #tpu.memory_space<vmem>>, vector<1x16xf32>,
      %swap3A_804 = vector.shape_cast %swap3A_803 : vector<1x16xf32> to vector<16xf32>
      %swap3A_805 = vector.shape_cast %add3A_790 : vector<16xf32> to vector<1x16xf32>
      tpu.vector_store %arg7[%swap3A_801, %swap3A_802], %swap3A_805 {strides = array<i32>} : memref<1024x32xf32, #tpu.memory_space<vmem>>, vector<1x16xf32>,
      %swap3A_806 = arith.index_cast %add3A_800 : i32 to index
      %swap3A_807 = arith.constant 16 : index
      %swap3A_808 = tpu.vector_load %arg7[%swap3A_806, %swap3A_807] {strides = array<i32>} : memref<1024x32xf32, #tpu.memory_space<vmem>>, vector<1x16xf32>,
      %swap3A_809 = vector.shape_cast %swap3A_808 : vector<1x16xf32> to vector<16xf32>
      %swap3A_810 = vector.shape_cast %add3A_796 : vector<16xf32> to vector<1x16xf32>
      tpu.vector_store %arg7[%swap3A_806, %swap3A_807], %swap3A_810 {strides = array<i32>} : memref<1024x32xf32, #tpu.memory_space<vmem>>, vector<1x16xf32>,
      %get3A_811 = arith.constant 60 : i32
      %get3A_812 = arith.index_cast %get3A_811 : i32 to index
      %get3A_813 = arith.constant 0 : index
      %get3A_814 = tpu.vector_load %arg6[%get3A_812, %get3A_813] {strides = array<i32>} : memref<80x32xf32, #tpu.memory_space<vmem>>, vector<1x16xf32>,
      %get3A_815 = vector.shape_cast %get3A_814 : vector<1x16xf32> to vector<16xf32>
      %get3A_816 = arith.constant 60 : i32
      %get3A_817 = arith.index_cast %get3A_816 : i32 to index
      %get3A_818 = arith.constant 16 : index
      %get3A_819 = tpu.vector_load %arg6[%get3A_817, %get3A_818] {strides = array<i32>} : memref<80x32xf32, #tpu.memory_space<vmem>>, vector<1x16xf32>,
      %get3A_820 = vector.shape_cast %get3A_819 : vector<1x16xf32> to vector<16xf32>
      %get3A_821 = arith.constant 61 : i32
      %get3A_822 = arith.index_cast %get3A_821 : i32 to index
      %get3A_823 = arith.constant 0 : index
      %get3A_824 = tpu.vector_load %arg6[%get3A_822, %get3A_823] {strides = array<i32>} : memref<80x32xf32, #tpu.memory_space<vmem>>, vector<1x16xf32>,
      %get3A_825 = vector.shape_cast %get3A_824 : vector<1x16xf32> to vector<16xf32>
      %add3A_826 = arith.addf %get3A_815, %get3A_825 : vector<16xf32>
      %get3A_827 = arith.constant 61 : i32
      %get3A_828 = arith.index_cast %get3A_827 : i32 to index
      %get3A_829 = arith.constant 16 : index
      %get3A_830 = tpu.vector_load %arg6[%get3A_828, %get3A_829] {strides = array<i32>} : memref<80x32xf32, #tpu.memory_space<vmem>>, vector<1x16xf32>,
      %get3A_831 = vector.shape_cast %get3A_830 : vector<1x16xf32> to vector<16xf32>
      %add3A_832 = arith.addf %get3A_820, %get3A_831 : vector<16xf32>
      %get3A_833 = arith.constant 62 : i32
      %get3A_834 = arith.index_cast %get3A_833 : i32 to index
      %get3A_835 = arith.constant 0 : index
      %get3A_836 = tpu.vector_load %arg6[%get3A_834, %get3A_835] {strides = array<i32>} : memref<80x32xf32, #tpu.memory_space<vmem>>, vector<1x16xf32>,
      %get3A_837 = vector.shape_cast %get3A_836 : vector<1x16xf32> to vector<16xf32>
      %add3A_838 = arith.addf %add3A_826, %get3A_837 : vector<16xf32>
      %get3A_839 = arith.constant 62 : i32
      %get3A_840 = arith.index_cast %get3A_839 : i32 to index
      %get3A_841 = arith.constant 16 : index
      %get3A_842 = tpu.vector_load %arg6[%get3A_840, %get3A_841] {strides = array<i32>} : memref<80x32xf32, #tpu.memory_space<vmem>>, vector<1x16xf32>,
      %get3A_843 = vector.shape_cast %get3A_842 : vector<1x16xf32> to vector<16xf32>
      %add3A_844 = arith.addf %add3A_832, %get3A_843 : vector<16xf32>
      %get3A_845 = arith.constant 63 : i32
      %get3A_846 = arith.index_cast %get3A_845 : i32 to index
      %get3A_847 = arith.constant 0 : index
      %get3A_848 = tpu.vector_load %arg6[%get3A_846, %get3A_847] {strides = array<i32>} : memref<80x32xf32, #tpu.memory_space<vmem>>, vector<1x16xf32>,
      %get3A_849 = vector.shape_cast %get3A_848 : vector<1x16xf32> to vector<16xf32>
      %add3A_850 = arith.addf %add3A_838, %get3A_849 : vector<16xf32>
      %get3A_851 = arith.constant 63 : i32
      %get3A_852 = arith.index_cast %get3A_851 : i32 to index
      %get3A_853 = arith.constant 16 : index
      %get3A_854 = tpu.vector_load %arg6[%get3A_852, %get3A_853] {strides = array<i32>} : memref<80x32xf32, #tpu.memory_space<vmem>>, vector<1x16xf32>,
      %get3A_855 = vector.shape_cast %get3A_854 : vector<1x16xf32> to vector<16xf32>
      %add3A_856 = arith.addf %add3A_844, %get3A_855 : vector<16xf32>
      %get3A_857 = arith.constant 64 : i32
      %get3A_858 = arith.index_cast %get3A_857 : i32 to index
      %get3A_859 = arith.constant 0 : index
      %get3A_860 = tpu.vector_load %arg6[%get3A_858, %get3A_859] {strides = array<i32>} : memref<80x32xf32, #tpu.memory_space<vmem>>, vector<1x16xf32>,
      %get3A_861 = vector.shape_cast %get3A_860 : vector<1x16xf32> to vector<16xf32>
      %add3A_862 = arith.addf %add3A_850, %get3A_861 : vector<16xf32>
      %get3A_863 = arith.constant 64 : i32
      %get3A_864 = arith.index_cast %get3A_863 : i32 to index
      %get3A_865 = arith.constant 16 : index
      %get3A_866 = tpu.vector_load %arg6[%get3A_864, %get3A_865] {strides = array<i32>} : memref<80x32xf32, #tpu.memory_space<vmem>>, vector<1x16xf32>,
      %get3A_867 = vector.shape_cast %get3A_866 : vector<1x16xf32> to vector<16xf32>
      %add3A_868 = arith.addf %add3A_856, %get3A_867 : vector<16xf32>
      %get3A_869 = arith.constant 65 : i32
      %get3A_870 = arith.index_cast %get3A_869 : i32 to index
      %get3A_871 = arith.constant 0 : index
      %get3A_872 = tpu.vector_load %arg6[%get3A_870, %get3A_871] {strides = array<i32>} : memref<80x32xf32, #tpu.memory_space<vmem>>, vector<1x16xf32>,
      %get3A_873 = vector.shape_cast %get3A_872 : vector<1x16xf32> to vector<16xf32>
      %add3A_874 = arith.addf %add3A_862, %get3A_873 : vector<16xf32>
      %get3A_875 = arith.constant 65 : i32
      %get3A_876 = arith.index_cast %get3A_875 : i32 to index
      %get3A_877 = arith.constant 16 : index
      %get3A_878 = tpu.vector_load %arg6[%get3A_876, %get3A_877] {strides = array<i32>} : memref<80x32xf32, #tpu.memory_space<vmem>>, vector<1x16xf32>,
      %get3A_879 = vector.shape_cast %get3A_878 : vector<1x16xf32> to vector<16xf32>
      %add3A_880 = arith.addf %add3A_868, %get3A_879 : vector<16xf32>
      %get3A_881 = arith.constant 66 : i32
      %get3A_882 = arith.index_cast %get3A_881 : i32 to index
      %get3A_883 = arith.constant 0 : index
      %get3A_884 = tpu.vector_load %arg6[%get3A_882, %get3A_883] {strides = array<i32>} : memref<80x32xf32, #tpu.memory_space<vmem>>, vector<1x16xf32>,
      %get3A_885 = vector.shape_cast %get3A_884 : vector<1x16xf32> to vector<16xf32>
      %add3A_886 = arith.addf %add3A_874, %get3A_885 : vector<16xf32>
      %get3A_887 = arith.constant 66 : i32
      %get3A_888 = arith.index_cast %get3A_887 : i32 to index
      %get3A_889 = arith.constant 16 : index
      %get3A_890 = tpu.vector_load %arg6[%get3A_888, %get3A_889] {strides = array<i32>} : memref<80x32xf32, #tpu.memory_space<vmem>>, vector<1x16xf32>,
      %get3A_891 = vector.shape_cast %get3A_890 : vector<1x16xf32> to vector<16xf32>
      %add3A_892 = arith.addf %add3A_880, %get3A_891 : vector<16xf32>
      %get3A_893 = arith.constant 67 : i32
      %get3A_894 = arith.index_cast %get3A_893 : i32 to index
      %get3A_895 = arith.constant 0 : index
      %get3A_896 = tpu.vector_load %arg6[%get3A_894, %get3A_895] {strides = array<i32>} : memref<80x32xf32, #tpu.memory_space<vmem>>, vector<1x16xf32>,
      %get3A_897 = vector.shape_cast %get3A_896 : vector<1x16xf32> to vector<16xf32>
      %add3A_898 = arith.addf %add3A_886, %get3A_897 : vector<16xf32>
      %get3A_899 = arith.constant 67 : i32
      %get3A_900 = arith.index_cast %get3A_899 : i32 to index
      %get3A_901 = arith.constant 16 : index
      %get3A_902 = tpu.vector_load %arg6[%get3A_900, %get3A_901] {strides = array<i32>} : memref<80x32xf32, #tpu.memory_space<vmem>>, vector<1x16xf32>,
      %get3A_903 = vector.shape_cast %get3A_902 : vector<1x16xf32> to vector<16xf32>
      %add3A_904 = arith.addf %add3A_892, %get3A_903 : vector<16xf32>
      %get3A_905 = arith.constant 68 : i32
      %get3A_906 = arith.index_cast %get3A_905 : i32 to index
      %get3A_907 = arith.constant 0 : index
      %get3A_908 = tpu.vector_load %arg6[%get3A_906, %get3A_907] {strides = array<i32>} : memref<80x32xf32, #tpu.memory_space<vmem>>, vector<1x16xf32>,
      %get3A_909 = vector.shape_cast %get3A_908 : vector<1x16xf32> to vector<16xf32>
      %add3A_910 = arith.addf %add3A_898, %get3A_909 : vector<16xf32>
      %get3A_911 = arith.constant 68 : i32
      %get3A_912 = arith.index_cast %get3A_911 : i32 to index
      %get3A_913 = arith.constant 16 : index
      %get3A_914 = tpu.vector_load %arg6[%get3A_912, %get3A_913] {strides = array<i32>} : memref<80x32xf32, #tpu.memory_space<vmem>>, vector<1x16xf32>,
      %get3A_915 = vector.shape_cast %get3A_914 : vector<1x16xf32> to vector<16xf32>
      %add3A_916 = arith.addf %add3A_904, %get3A_915 : vector<16xf32>
      %get3A_917 = arith.constant 69 : i32
      %get3A_918 = arith.index_cast %get3A_917 : i32 to index
      %get3A_919 = arith.constant 0 : index
      %get3A_920 = tpu.vector_load %arg6[%get3A_918, %get3A_919] {strides = array<i32>} : memref<80x32xf32, #tpu.memory_space<vmem>>, vector<1x16xf32>,
      %get3A_921 = vector.shape_cast %get3A_920 : vector<1x16xf32> to vector<16xf32>
      %add3A_922 = arith.addf %add3A_910, %get3A_921 : vector<16xf32>
      %get3A_923 = arith.constant 69 : i32
      %get3A_924 = arith.index_cast %get3A_923 : i32 to index
      %get3A_925 = arith.constant 16 : index
      %get3A_926 = tpu.vector_load %arg6[%get3A_924, %get3A_925] {strides = array<i32>} : memref<80x32xf32, #tpu.memory_space<vmem>>, vector<1x16xf32>,
      %get3A_927 = vector.shape_cast %get3A_926 : vector<1x16xf32> to vector<16xf32>
      %add3A_928 = arith.addf %add3A_916, %get3A_927 : vector<16xf32>
      %mul3A_929 = arith.constant 8 : i32
      %mul3A_930 = arith.muli %scan3A_10, %mul3A_929 : i32
      %add3A_931 = arith.constant 6 : i32
      %add3A_932 = arith.addi %mul3A_930, %add3A_931 : i32
      %swap3A_933 = arith.index_cast %add3A_932 : i32 to index
      %swap3A_934 = arith.constant 0 : index
      %swap3A_935 = tpu.vector_load %arg7[%swap3A_933, %swap3A_934] {strides = array<i32>} : memref<1024x32xf32, #tpu.memory_space<vmem>>, vector<1x16xf32>,
      %swap3A_936 = vector.shape_cast %swap3A_935 : vector<1x16xf32> to vector<16xf32>
      %swap3A_937 = vector.shape_cast %add3A_922 : vector<16xf32> to vector<1x16xf32>
      tpu.vector_store %arg7[%swap3A_933, %swap3A_934], %swap3A_937 {strides = array<i32>} : memref<1024x32xf32, #tpu.memory_space<vmem>>, vector<1x16xf32>,
      %swap3A_938 = arith.index_cast %add3A_932 : i32 to index
      %swap3A_939 = arith.constant 16 : index
      %swap3A_940 = tpu.vector_load %arg7[%swap3A_938, %swap3A_939] {strides = array<i32>} : memref<1024x32xf32, #tpu.memory_space<vmem>>, vector<1x16xf32>,
      %swap3A_941 = vector.shape_cast %swap3A_940 : vector<1x16xf32> to vector<16xf32>
      %swap3A_942 = vector.shape_cast %add3A_928 : vector<16xf32> to vector<1x16xf32>
      tpu.vector_store %arg7[%swap3A_938, %swap3A_939], %swap3A_942 {strides = array<i32>} : memref<1024x32xf32, #tpu.memory_space<vmem>>, vector<1x16xf32>,
      %get3A_943 = arith.constant 70 : i32
      %get3A_944 = arith.index_cast %get3A_943 : i32 to index
      %get3A_945 = arith.constant 0 : index
      %get3A_946 = tpu.vector_load %arg6[%get3A_944, %get3A_945] {strides = array<i32>} : memref<80x32xf32, #tpu.memory_space<vmem>>, vector<1x16xf32>,
      %get3A_947 = vector.shape_cast %get3A_946 : vector<1x16xf32> to vector<16xf32>
      %get3A_948 = arith.constant 70 : i32
      %get3A_949 = arith.index_cast %get3A_948 : i32 to index
      %get3A_950 = arith.constant 16 : index
      %get3A_951 = tpu.vector_load %arg6[%get3A_949, %get3A_950] {strides = array<i32>} : memref<80x32xf32, #tpu.memory_space<vmem>>, vector<1x16xf32>,
      %get3A_952 = vector.shape_cast %get3A_951 : vector<1x16xf32> to vector<16xf32>
      %get3A_953 = arith.constant 71 : i32
      %get3A_954 = arith.index_cast %get3A_953 : i32 to index
      %get3A_955 = arith.constant 0 : index
      %get3A_956 = tpu.vector_load %arg6[%get3A_954, %get3A_955] {strides = array<i32>} : memref<80x32xf32, #tpu.memory_space<vmem>>, vector<1x16xf32>,
      %get3A_957 = vector.shape_cast %get3A_956 : vector<1x16xf32> to vector<16xf32>
      %add3A_958 = arith.addf %get3A_947, %get3A_957 : vector<16xf32>
      %get3A_959 = arith.constant 71 : i32
      %get3A_960 = arith.index_cast %get3A_959 : i32 to index
      %get3A_961 = arith.constant 16 : index
      %get3A_962 = tpu.vector_load %arg6[%get3A_960, %get3A_961] {strides = array<i32>} : memref<80x32xf32, #tpu.memory_space<vmem>>, vector<1x16xf32>,
      %get3A_963 = vector.shape_cast %get3A_962 : vector<1x16xf32> to vector<16xf32>
      %add3A_964 = arith.addf %get3A_952, %get3A_963 : vector<16xf32>
      %get3A_965 = arith.constant 72 : i32
      %get3A_966 = arith.index_cast %get3A_965 : i32 to index
      %get3A_967 = arith.constant 0 : index
      %get3A_968 = tpu.vector_load %arg6[%get3A_966, %get3A_967] {strides = array<i32>} : memref<80x32xf32, #tpu.memory_space<vmem>>, vector<1x16xf32>,
      %get3A_969 = vector.shape_cast %get3A_968 : vector<1x16xf32> to vector<16xf32>
      %add3A_970 = arith.addf %add3A_958, %get3A_969 : vector<16xf32>
      %get3A_971 = arith.constant 72 : i32
      %get3A_972 = arith.index_cast %get3A_971 : i32 to index
      %get3A_973 = arith.constant 16 : index
      %get3A_974 = tpu.vector_load %arg6[%get3A_972, %get3A_973] {strides = array<i32>} : memref<80x32xf32, #tpu.memory_space<vmem>>, vector<1x16xf32>,
      %get3A_975 = vector.shape_cast %get3A_974 : vector<1x16xf32> to vector<16xf32>
      %add3A_976 = arith.addf %add3A_964, %get3A_975 : vector<16xf32>
      %get3A_977 = arith.constant 73 : i32
      %get3A_978 = arith.index_cast %get3A_977 : i32 to index
      %get3A_979 = arith.constant 0 : index
      %get3A_980 = tpu.vector_load %arg6[%get3A_978, %get3A_979] {strides = array<i32>} : memref<80x32xf32, #tpu.memory_space<vmem>>, vector<1x16xf32>,
      %get3A_981 = vector.shape_cast %get3A_980 : vector<1x16xf32> to vector<16xf32>
      %add3A_982 = arith.addf %add3A_970, %get3A_981 : vector<16xf32>
      %get3A_983 = arith.constant 73 : i32
      %get3A_984 = arith.index_cast %get3A_983 : i32 to index
      %get3A_985 = arith.constant 16 : index
      %get3A_986 = tpu.vector_load %arg6[%get3A_984, %get3A_985] {strides = array<i32>} : memref<80x32xf32, #tpu.memory_space<vmem>>, vector<1x16xf32>,
      %get3A_987 = vector.shape_cast %get3A_986 : vector<1x16xf32> to vector<16xf32>
      %add3A_988 = arith.addf %add3A_976, %get3A_987 : vector<16xf32>
      %get3A_989 = arith.constant 74 : i32
      %get3A_990 = arith.index_cast %get3A_989 : i32 to index
      %get3A_991 = arith.constant 0 : index
      %get3A_992 = tpu.vector_load %arg6[%get3A_990, %get3A_991] {strides = array<i32>} : memref<80x32xf32, #tpu.memory_space<vmem>>, vector<1x16xf32>,
      %get3A_993 = vector.shape_cast %get3A_992 : vector<1x16xf32> to vector<16xf32>
      %add3A_994 = arith.addf %add3A_982, %get3A_993 : vector<16xf32>
      %get3A_995 = arith.constant 74 : i32
      %get3A_996 = arith.index_cast %get3A_995 : i32 to index
      %get3A_997 = arith.constant 16 : index
      %get3A_998 = tpu.vector_load %arg6[%get3A_996, %get3A_997] {strides = array<i32>} : memref<80x32xf32, #tpu.memory_space<vmem>>, vector<1x16xf32>,
      %get3A_999 = vector.shape_cast %get3A_998 : vector<1x16xf32> to vector<16xf32>
      %add3A_1000 = arith.addf %add3A_988, %get3A_999 : vector<16xf32>
      %get3A_1001 = arith.constant 75 : i32
      %get3A_1002 = arith.index_cast %get3A_1001 : i32 to index
      %get3A_1003 = arith.constant 0 : index
      %get3A_1004 = tpu.vector_load %arg6[%get3A_1002, %get3A_1003] {strides = array<i32>} : memref<80x32xf32, #tpu.memory_space<vmem>>, vector<1x16xf32>,
      %get3A_1005 = vector.shape_cast %get3A_1004 : vector<1x16xf32> to vector<16xf32>
      %add3A_1006 = arith.addf %add3A_994, %get3A_1005 : vector<16xf32>
      %get3A_1007 = arith.constant 75 : i32
      %get3A_1008 = arith.index_cast %get3A_1007 : i32 to index
      %get3A_1009 = arith.constant 16 : index
      %get3A_1010 = tpu.vector_load %arg6[%get3A_1008, %get3A_1009] {strides = array<i32>} : memref<80x32xf32, #tpu.memory_space<vmem>>, vector<1x16xf32>,
      %get3A_1011 = vector.shape_cast %get3A_1010 : vector<1x16xf32> to vector<16xf32>
      %add3A_1012 = arith.addf %add3A_1000, %get3A_1011 : vector<16xf32>
      %get3A_1013 = arith.constant 76 : i32
      %get3A_1014 = arith.index_cast %get3A_1013 : i32 to index
      %get3A_1015 = arith.constant 0 : index
      %get3A_1016 = tpu.vector_load %arg6[%get3A_1014, %get3A_1015] {strides = array<i32>} : memref<80x32xf32, #tpu.memory_space<vmem>>, vector<1x16xf32>,
      %get3A_1017 = vector.shape_cast %get3A_1016 : vector<1x16xf32> to vector<16xf32>
      %add3A_1018 = arith.addf %add3A_1006, %get3A_1017 : vector<16xf32>
      %get3A_1019 = arith.constant 76 : i32
      %get3A_1020 = arith.index_cast %get3A_1019 : i32 to index
      %get3A_1021 = arith.constant 16 : index
      %get3A_1022 = tpu.vector_load %arg6[%get3A_1020, %get3A_1021] {strides = array<i32>} : memref<80x32xf32, #tpu.memory_space<vmem>>, vector<1x16xf32>,
      %get3A_1023 = vector.shape_cast %get3A_1022 : vector<1x16xf32> to vector<16xf32>
      %add3A_1024 = arith.addf %add3A_1012, %get3A_1023 : vector<16xf32>
      %get3A_1025 = arith.constant 77 : i32
      %get3A_1026 = arith.index_cast %get3A_1025 : i32 to index
      %get3A_1027 = arith.constant 0 : index
      %get3A_1028 = tpu.vector_load %arg6[%get3A_1026, %get3A_1027] {strides = array<i32>} : memref<80x32xf32, #tpu.memory_space<vmem>>, vector<1x16xf32>,
      %get3A_1029 = vector.shape_cast %get3A_1028 : vector<1x16xf32> to vector<16xf32>
      %add3A_1030 = arith.addf %add3A_1018, %get3A_1029 : vector<16xf32>
      %get3A_1031 = arith.constant 77 : i32
      %get3A_1032 = arith.index_cast %get3A_1031 : i32 to index
      %get3A_1033 = arith.constant 16 : index
      %get3A_1034 = tpu.vector_load %arg6[%get3A_1032, %get3A_1033] {strides = array<i32>} : memref<80x32xf32, #tpu.memory_space<vmem>>, vector<1x16xf32>,
      %get3A_1035 = vector.shape_cast %get3A_1034 : vector<1x16xf32> to vector<16xf32>
      %add3A_1036 = arith.addf %add3A_1024, %get3A_1035 : vector<16xf32>
      %get3A_1037 = arith.constant 78 : i32
      %get3A_1038 = arith.index_cast %get3A_1037 : i32 to index
      %get3A_1039 = arith.constant 0 : index
      %get3A_1040 = tpu.vector_load %arg6[%get3A_1038, %get3A_1039] {strides = array<i32>} : memref<80x32xf32, #tpu.memory_space<vmem>>, vector<1x16xf32>,
      %get3A_1041 = vector.shape_cast %get3A_1040 : vector<1x16xf32> to vector<16xf32>
      %add3A_1042 = arith.addf %add3A_1030, %get3A_1041 : vector<16xf32>
      %get3A_1043 = arith.constant 78 : i32
      %get3A_1044 = arith.index_cast %get3A_1043 : i32 to index
      %get3A_1045 = arith.constant 16 : index
      %get3A_1046 = tpu.vector_load %arg6[%get3A_1044, %get3A_1045] {strides = array<i32>} : memref<80x32xf32, #tpu.memory_space<vmem>>, vector<1x16xf32>,
      %get3A_1047 = vector.shape_cast %get3A_1046 : vector<1x16xf32> to vector<16xf32>
      %add3A_1048 = arith.addf %add3A_1036, %get3A_1047 : vector<16xf32>
      %get3A_1049 = arith.constant 79 : i32
      %get3A_1050 = arith.index_cast %get3A_1049 : i32 to index
      %get3A_1051 = arith.constant 0 : index
      %get3A_1052 = tpu.vector_load %arg6[%get3A_1050, %get3A_1051] {strides = array<i32>} : memref<80x32xf32, #tpu.memory_space<vmem>>, vector<1x16xf32>,
      %get3A_1053 = vector.shape_cast %get3A_1052 : vector<1x16xf32> to vector<16xf32>
      %add3A_1054 = arith.addf %add3A_1042, %get3A_1053 : vector<16xf32>
      %get3A_1055 = arith.constant 79 : i32
      %get3A_1056 = arith.index_cast %get3A_1055 : i32 to index
      %get3A_1057 = arith.constant 16 : index
      %get3A_1058 = tpu.vector_load %arg6[%get3A_1056, %get3A_1057] {strides = array<i32>} : memref<80x32xf32, #tpu.memory_space<vmem>>, vector<1x16xf32>,
      %get3A_1059 = vector.shape_cast %get3A_1058 : vector<1x16xf32> to vector<16xf32>
      %add3A_1060 = arith.addf %add3A_1048, %get3A_1059 : vector<16xf32>
      %mul3A_1061 = arith.constant 8 : i32
      %mul3A_1062 = arith.muli %scan3A_10, %mul3A_1061 : i32
      %add3A_1063 = arith.constant 7 : i32
      %add3A_1064 = arith.addi %mul3A_1062, %add3A_1063 : i32
      %swap3A_1065 = arith.index_cast %add3A_1064 : i32 to index
      %swap3A_1066 = arith.constant 0 : index
      %swap3A_1067 = tpu.vector_load %arg7[%swap3A_1065, %swap3A_1066] {strides = array<i32>} : memref<1024x32xf32, #tpu.memory_space<vmem>>, vector<1x16xf32>,
      %swap3A_1068 = vector.shape_cast %swap3A_1067 : vector<1x16xf32> to vector<16xf32>
      %swap3A_1069 = vector.shape_cast %add3A_1054 : vector<16xf32> to vector<1x16xf32>
      tpu.vector_store %arg7[%swap3A_1065, %swap3A_1066], %swap3A_1069 {strides = array<i32>} : memref<1024x32xf32, #tpu.memory_space<vmem>>, vector<1x16xf32>,
      %swap3A_1070 = arith.index_cast %add3A_1064 : i32 to index
      %swap3A_1071 = arith.constant 16 : index
      %swap3A_1072 = tpu.vector_load %arg7[%swap3A_1070, %swap3A_1071] {strides = array<i32>} : memref<1024x32xf32, #tpu.memory_space<vmem>>, vector<1x16xf32>,
      %swap3A_1073 = vector.shape_cast %swap3A_1072 : vector<1x16xf32> to vector<16xf32>
      %swap3A_1074 = vector.shape_cast %add3A_1060 : vector<16xf32> to vector<1x16xf32>
      tpu.vector_store %arg7[%swap3A_1070, %swap3A_1071], %swap3A_1074 {strides = array<i32>} : memref<1024x32xf32, #tpu.memory_space<vmem>>, vector<1x16xf32>,
    }
    %scan3A_7 = arith.constant 128 : i32
    %mul3A_8 = arith.constant 1024 : i32
    %mul3A_9 = arith.muli %add3A, %mul3A_8 : i32
    "tpu.region"() ({
      %run_scoped3A = tpu.sem_alloc : memref<!tpu.dma_semaphore, #tpu.memory_space<semaphore_mem>>
      %dma_start3A = arith.constant 0 : i32
      %dma_start3A_10 = tpu.memref_slice %arg4[%mul3A_9, %dma_start3A] : memref<32768x32xf32, #tpu.memory_space<hbm>> -> memref<1024x32xf32, #tpu.memory_space<hbm>>
      %dma_start3A_11 = arith.constant 0 : i32
      %dma_start3A_12 = tpu.memref_slice %arg4[%mul3A_9, %dma_start3A_11] : memref<32768x32xf32, #tpu.memory_space<hbm>> -> memref<1024x32xf32, #tpu.memory_space<hbm>>
      tpu.enqueue_dma source(%arg7 : memref<1024x32xf32, #tpu.memory_space<vmem>>) target(%dma_start3A_12 : memref<1024x32xf32, #tpu.memory_space<hbm>>) target_semaphore(%run_scoped3A : memref<!tpu.dma_semaphore, #tpu.memory_space<semaphore_mem>>)
      %dma_wait3A = arith.constant 0 : i32
      %dma_wait3A_13 = tpu.memref_slice %arg4[%mul3A_9, %dma_wait3A] : memref<32768x32xf32, #tpu.memory_space<hbm>> -> memref<1024x32xf32, #tpu.memory_space<hbm>>
      %dma_wait3A_14 = arith.constant 0 : i32
      %dma_wait3A_15 = tpu.memref_slice %arg4[%mul3A_9, %dma_wait3A_14] : memref<32768x32xf32, #tpu.memory_space<hbm>> -> memref<1024x32xf32, #tpu.memory_space<hbm>>
      tpu.wait_dma2 semaphore(%run_scoped3A : memref<!tpu.dma_semaphore, #tpu.memory_space<semaphore_mem>>) src(%arg7 : memref<1024x32xf32, #tpu.memory_space<vmem>>) dst(%dma_wait3A_15 : memref<1024x32xf32, #tpu.memory_space<hbm>>)
      tpu.yield
    }) : () -> ()
    return
  }
}

module attributes {stable_mosaic.version = 14 : i64} {
  func.func @_tc_dense_body(%arg0: i32, %arg1: memref<1024x128xf32, #tpu.memory_space<vmem>>, %arg2: memref<1024x1xi32, #tpu.memory_space<vmem>>, %arg3: memref<4x32x32xf32, #tpu.memory_space<vmem>>, %arg4: memref<4x32x1xf32, #tpu.memory_space<vmem>>, %arg5: memref<4x32x128xf32, #tpu.memory_space<vmem>>, %arg6: memref<1024x128xf32, #tpu.memory_space<vmem>>) attributes {dimension_semantics = [#tpu.dimension_semantics<arbitrary>], iteration_bounds = array<i64: 8>, scalar_prefetch = 0 : i64, scratch_operands = 0 : i64, tpu.core_type = #tpu.core_type<tc>, window_params = [{transform_indices = @transform_0, window_bounds = array<i64: 1024, 128>}, {transform_indices = @transform_1, window_bounds = array<i64: 1024, 1>}, {pipeline_mode = #tpu.pipeline_mode<synchronous>, transform_indices = @transform_2, window_bounds = array<i64: 4, 32, 32>}, {pipeline_mode = #tpu.pipeline_mode<synchronous>, transform_indices = @transform_3, window_bounds = array<i64: 4, 32, 1>}, {pipeline_mode = #tpu.pipeline_mode<synchronous>, transform_indices = @transform_4, window_bounds = array<i64: 4, 32, 128>}, {transform_indices = @transform_5, window_bounds = array<i64: 1024, 128>}]} {
    %get3A = arith.constant 0 : index
    %get3A_0 = arith.constant 0 : index
    %get3A_1 = vector.load %arg2[%get3A, %get3A_0] : memref<1024x1xi32, #tpu.memory_space<vmem>>, vector<1024x1xi32>
    %get3A_2 = arith.constant 0 : index
    %get3A_3 = arith.constant 0 : index
    %get3A_4 = vector.load %arg1[%get3A_2, %get3A_3] : memref<1024x128xf32, #tpu.memory_space<vmem>>, vector<1024x32xf32>
    %get3A_5 = arith.constant 0 : index
    %get3A_6 = arith.constant 32 : index
    %get3A_7 = vector.load %arg1[%get3A_5, %get3A_6] : memref<1024x128xf32, #tpu.memory_space<vmem>>, vector<1024x32xf32>
    %get3A_8 = arith.constant 0 : index
    %get3A_9 = arith.constant 64 : index
    %get3A_10 = vector.load %arg1[%get3A_8, %get3A_9] : memref<1024x128xf32, #tpu.memory_space<vmem>>, vector<1024x32xf32>
    %get3A_11 = arith.constant 0 : index
    %get3A_12 = arith.constant 96 : index
    %get3A_13 = vector.load %arg1[%get3A_11, %get3A_12] : memref<1024x128xf32, #tpu.memory_space<vmem>>, vector<1024x32xf32>
    %eq3A = arith.constant 0 : i32
    %eq3A_14 = vector.broadcast %eq3A : i32 to vector<1024x1xi32>
    %eq3A_15 = arith.cmpi eq, %get3A_1, %eq3A_14 : vector<1024x1xi32>
    %convert_element_type3A = arith.extui %eq3A_15 : vector<1024x1xi1> to vector<1024x1xi32>
    %convert_element_type3A_16 = arith.sitofp %convert_element_type3A : vector<1024x1xi32> to vector<1024x1xf32>
    %eq3A_17 = arith.constant 1 : i32
    %eq3A_18 = vector.broadcast %eq3A_17 : i32 to vector<1024x1xi32>
    %eq3A_19 = arith.cmpi eq, %get3A_1, %eq3A_18 : vector<1024x1xi32>
    %convert_element_type3A_20 = arith.extui %eq3A_19 : vector<1024x1xi1> to vector<1024x1xi32>
    %convert_element_type3A_21 = arith.sitofp %convert_element_type3A_20 : vector<1024x1xi32> to vector<1024x1xf32>
    %eq3A_22 = arith.constant 2 : i32
    %eq3A_23 = vector.broadcast %eq3A_22 : i32 to vector<1024x1xi32>
    %eq3A_24 = arith.cmpi eq, %get3A_1, %eq3A_23 : vector<1024x1xi32>
    %convert_element_type3A_25 = arith.extui %eq3A_24 : vector<1024x1xi1> to vector<1024x1xi32>
    %convert_element_type3A_26 = arith.sitofp %convert_element_type3A_25 : vector<1024x1xi32> to vector<1024x1xf32>
    %eq3A_27 = arith.constant 3 : i32
    %eq3A_28 = vector.broadcast %eq3A_27 : i32 to vector<1024x1xi32>
    %eq3A_29 = arith.cmpi eq, %get3A_1, %eq3A_28 : vector<1024x1xi32>
    %convert_element_type3A_30 = arith.extui %eq3A_29 : vector<1024x1xi1> to vector<1024x1xi32>
    %convert_element_type3A_31 = arith.sitofp %convert_element_type3A_30 : vector<1024x1xi32> to vector<1024x1xf32>
    %broadcast_in_dim3A = arith.constant 0.000000e+00 : f32
    %broadcast_in_dim3A_32 = vector.broadcast %broadcast_in_dim3A : f32 to vector<1024x1xf32>
    %broadcast_in_dim3A_33 = arith.constant 0.000000e+00 : f32
    %broadcast_in_dim3A_34 = vector.broadcast %broadcast_in_dim3A_33 : f32 to vector<1024x1xf32>
    %broadcast_in_dim3A_35 = arith.constant 0.000000e+00 : f32
    %broadcast_in_dim3A_36 = vector.broadcast %broadcast_in_dim3A_35 : f32 to vector<1024x1xf32>
    %broadcast_in_dim3A_37 = arith.constant 0.000000e+00 : f32
    %broadcast_in_dim3A_38 = vector.broadcast %broadcast_in_dim3A_37 : f32 to vector<1024x1xf32>
    %get3A_39 = arith.constant 0 : index
    %get3A_40 = arith.constant 0 : index
    %get3A_41 = arith.constant 0 : index
    %get3A_42 = vector.load %arg3[%get3A_39, %get3A_40, %get3A_41] : memref<4x32x32xf32, #tpu.memory_space<vmem>>, vector<1x32x32xf32>
    %get3A_43 = vector.shape_cast %get3A_42 : vector<1x32x32xf32> to vector<32x32xf32>
    %get3A_44 = arith.constant 0 : index
    %get3A_45 = arith.constant 0 : index
    %get3A_46 = arith.constant 0 : index
    %get3A_47 = vector.load %arg4[%get3A_44, %get3A_45, %get3A_46] : memref<4x32x1xf32, #tpu.memory_space<vmem>>, vector<1x32x1xf32>
    %get3A_48 = vector.shape_cast %get3A_47 : vector<1x32x1xf32> to vector<32x1xf32>
    %squeeze3A = vector.shape_cast %get3A_48 : vector<32x1xf32> to vector<32xf32>
    %broadcast_in_dim3A_49 = vector.shape_cast %squeeze3A : vector<32xf32> to vector<1x32xf32>
    %dot_general3A = arith.constant dense<0.000000e+00> : vector<1024x32xf32>
    %dot_general3A_50 = tpu.matmul %get3A_4, %get3A_43, %dot_general3A {dimension_numbers = #tpu.dot_dimension_numbers<[1], [0], [0], [1], [0, 0, 1, 1], [], []>, transpose_lhs_hint = false} : vector<1024x32xf32>, vector<32x32xf32>, vector<1024x32xf32> -> vector<1024x32xf32>
    %tanh3A = math.tanh %dot_general3A_50 : vector<1024x32xf32>
    %mul3A = vector.broadcast %broadcast_in_dim3A_49 : vector<1x32xf32> to vector<1024x32xf32>
    %mul3A_51 = arith.mulf %tanh3A, %mul3A : vector<1024x32xf32>
    %reduce_sum3A = arith.constant dense<0.000000e+00> : vector<1024xf32>
    %reduce_sum3A_52 = vector.multi_reduction <add>, %mul3A_51, %reduce_sum3A [1] : vector<1024x32xf32> to vector<1024xf32>
    %broadcast_in_dim3A_53 = vector.shape_cast %reduce_sum3A_52 : vector<1024xf32> to vector<1024x1xf32>
    %mul3A_54 = arith.mulf %convert_element_type3A_16, %broadcast_in_dim3A_53 : vector<1024x1xf32>
    %add3A = arith.addf %broadcast_in_dim3A_32, %mul3A_54 : vector<1024x1xf32>
    %dot_general3A_55 = arith.constant dense<0.000000e+00> : vector<1024x32xf32>
    %dot_general3A_56 = tpu.matmul %get3A_7, %get3A_43, %dot_general3A_55 {dimension_numbers = #tpu.dot_dimension_numbers<[1], [0], [0], [1], [0, 0, 1, 1], [], []>, transpose_lhs_hint = false} : vector<1024x32xf32>, vector<32x32xf32>, vector<1024x32xf32> -> vector<1024x32xf32>
    %tanh3A_57 = math.tanh %dot_general3A_56 : vector<1024x32xf32>
    %mul3A_58 = vector.broadcast %broadcast_in_dim3A_49 : vector<1x32xf32> to vector<1024x32xf32>
    %mul3A_59 = arith.mulf %tanh3A_57, %mul3A_58 : vector<1024x32xf32>
    %reduce_sum3A_60 = arith.constant dense<0.000000e+00> : vector<1024xf32>
    %reduce_sum3A_61 = vector.multi_reduction <add>, %mul3A_59, %reduce_sum3A_60 [1] : vector<1024x32xf32> to vector<1024xf32>
    %broadcast_in_dim3A_62 = vector.shape_cast %reduce_sum3A_61 : vector<1024xf32> to vector<1024x1xf32>
    %mul3A_63 = arith.mulf %convert_element_type3A_16, %broadcast_in_dim3A_62 : vector<1024x1xf32>
    %add3A_64 = arith.addf %broadcast_in_dim3A_34, %mul3A_63 : vector<1024x1xf32>
    %dot_general3A_65 = arith.constant dense<0.000000e+00> : vector<1024x32xf32>
    %dot_general3A_66 = tpu.matmul %get3A_10, %get3A_43, %dot_general3A_65 {dimension_numbers = #tpu.dot_dimension_numbers<[1], [0], [0], [1], [0, 0, 1, 1], [], []>, transpose_lhs_hint = false} : vector<1024x32xf32>, vector<32x32xf32>, vector<1024x32xf32> -> vector<1024x32xf32>
    %tanh3A_67 = math.tanh %dot_general3A_66 : vector<1024x32xf32>
    %mul3A_68 = vector.broadcast %broadcast_in_dim3A_49 : vector<1x32xf32> to vector<1024x32xf32>
    %mul3A_69 = arith.mulf %tanh3A_67, %mul3A_68 : vector<1024x32xf32>
    %reduce_sum3A_70 = arith.constant dense<0.000000e+00> : vector<1024xf32>
    %reduce_sum3A_71 = vector.multi_reduction <add>, %mul3A_69, %reduce_sum3A_70 [1] : vector<1024x32xf32> to vector<1024xf32>
    %broadcast_in_dim3A_72 = vector.shape_cast %reduce_sum3A_71 : vector<1024xf32> to vector<1024x1xf32>
    %mul3A_73 = arith.mulf %convert_element_type3A_16, %broadcast_in_dim3A_72 : vector<1024x1xf32>
    %add3A_74 = arith.addf %broadcast_in_dim3A_36, %mul3A_73 : vector<1024x1xf32>
    %dot_general3A_75 = arith.constant dense<0.000000e+00> : vector<1024x32xf32>
    %dot_general3A_76 = tpu.matmul %get3A_13, %get3A_43, %dot_general3A_75 {dimension_numbers = #tpu.dot_dimension_numbers<[1], [0], [0], [1], [0, 0, 1, 1], [], []>, transpose_lhs_hint = false} : vector<1024x32xf32>, vector<32x32xf32>, vector<1024x32xf32> -> vector<1024x32xf32>
    %tanh3A_77 = math.tanh %dot_general3A_76 : vector<1024x32xf32>
    %mul3A_78 = vector.broadcast %broadcast_in_dim3A_49 : vector<1x32xf32> to vector<1024x32xf32>
    %mul3A_79 = arith.mulf %tanh3A_77, %mul3A_78 : vector<1024x32xf32>
    %reduce_sum3A_80 = arith.constant dense<0.000000e+00> : vector<1024xf32>
    %reduce_sum3A_81 = vector.multi_reduction <add>, %mul3A_79, %reduce_sum3A_80 [1] : vector<1024x32xf32> to vector<1024xf32>
    %broadcast_in_dim3A_82 = vector.shape_cast %reduce_sum3A_81 : vector<1024xf32> to vector<1024x1xf32>
    %mul3A_83 = arith.mulf %convert_element_type3A_16, %broadcast_in_dim3A_82 : vector<1024x1xf32>
    %add3A_84 = arith.addf %broadcast_in_dim3A_38, %mul3A_83 : vector<1024x1xf32>
    %get3A_85 = arith.constant 1 : index
    %get3A_86 = arith.constant 0 : index
    %get3A_87 = arith.constant 0 : index
    %get3A_88 = vector.load %arg3[%get3A_85, %get3A_86, %get3A_87] : memref<4x32x32xf32, #tpu.memory_space<vmem>>, vector<1x32x32xf32>
    %get3A_89 = vector.shape_cast %get3A_88 : vector<1x32x32xf32> to vector<32x32xf32>
    %get3A_90 = arith.constant 1 : index
    %get3A_91 = arith.constant 0 : index
    %get3A_92 = arith.constant 0 : index
    %get3A_93 = vector.load %arg4[%get3A_90, %get3A_91, %get3A_92] : memref<4x32x1xf32, #tpu.memory_space<vmem>>, vector<1x32x1xf32>
    %get3A_94 = vector.shape_cast %get3A_93 : vector<1x32x1xf32> to vector<32x1xf32>
    %squeeze3A_95 = vector.shape_cast %get3A_94 : vector<32x1xf32> to vector<32xf32>
    %broadcast_in_dim3A_96 = vector.shape_cast %squeeze3A_95 : vector<32xf32> to vector<1x32xf32>
    %dot_general3A_97 = arith.constant dense<0.000000e+00> : vector<1024x32xf32>
    %dot_general3A_98 = tpu.matmul %get3A_4, %get3A_89, %dot_general3A_97 {dimension_numbers = #tpu.dot_dimension_numbers<[1], [0], [0], [1], [0, 0, 1, 1], [], []>, transpose_lhs_hint = false} : vector<1024x32xf32>, vector<32x32xf32>, vector<1024x32xf32> -> vector<1024x32xf32>
    %tanh3A_99 = math.tanh %dot_general3A_98 : vector<1024x32xf32>
    %mul3A_100 = vector.broadcast %broadcast_in_dim3A_96 : vector<1x32xf32> to vector<1024x32xf32>
    %mul3A_101 = arith.mulf %tanh3A_99, %mul3A_100 : vector<1024x32xf32>
    %reduce_sum3A_102 = arith.constant dense<0.000000e+00> : vector<1024xf32>
    %reduce_sum3A_103 = vector.multi_reduction <add>, %mul3A_101, %reduce_sum3A_102 [1] : vector<1024x32xf32> to vector<1024xf32>
    %broadcast_in_dim3A_104 = vector.shape_cast %reduce_sum3A_103 : vector<1024xf32> to vector<1024x1xf32>
    %mul3A_105 = arith.mulf %convert_element_type3A_21, %broadcast_in_dim3A_104 : vector<1024x1xf32>
    %add3A_106 = arith.addf %add3A, %mul3A_105 : vector<1024x1xf32>
    %dot_general3A_107 = arith.constant dense<0.000000e+00> : vector<1024x32xf32>
    %dot_general3A_108 = tpu.matmul %get3A_7, %get3A_89, %dot_general3A_107 {dimension_numbers = #tpu.dot_dimension_numbers<[1], [0], [0], [1], [0, 0, 1, 1], [], []>, transpose_lhs_hint = false} : vector<1024x32xf32>, vector<32x32xf32>, vector<1024x32xf32> -> vector<1024x32xf32>
    %tanh3A_109 = math.tanh %dot_general3A_108 : vector<1024x32xf32>
    %mul3A_110 = vector.broadcast %broadcast_in_dim3A_96 : vector<1x32xf32> to vector<1024x32xf32>
    %mul3A_111 = arith.mulf %tanh3A_109, %mul3A_110 : vector<1024x32xf32>
    %reduce_sum3A_112 = arith.constant dense<0.000000e+00> : vector<1024xf32>
    %reduce_sum3A_113 = vector.multi_reduction <add>, %mul3A_111, %reduce_sum3A_112 [1] : vector<1024x32xf32> to vector<1024xf32>
    %broadcast_in_dim3A_114 = vector.shape_cast %reduce_sum3A_113 : vector<1024xf32> to vector<1024x1xf32>
    %mul3A_115 = arith.mulf %convert_element_type3A_21, %broadcast_in_dim3A_114 : vector<1024x1xf32>
    %add3A_116 = arith.addf %add3A_64, %mul3A_115 : vector<1024x1xf32>
    %dot_general3A_117 = arith.constant dense<0.000000e+00> : vector<1024x32xf32>
    %dot_general3A_118 = tpu.matmul %get3A_10, %get3A_89, %dot_general3A_117 {dimension_numbers = #tpu.dot_dimension_numbers<[1], [0], [0], [1], [0, 0, 1, 1], [], []>, transpose_lhs_hint = false} : vector<1024x32xf32>, vector<32x32xf32>, vector<1024x32xf32> -> vector<1024x32xf32>
    %tanh3A_119 = math.tanh %dot_general3A_118 : vector<1024x32xf32>
    %mul3A_120 = vector.broadcast %broadcast_in_dim3A_96 : vector<1x32xf32> to vector<1024x32xf32>
    %mul3A_121 = arith.mulf %tanh3A_119, %mul3A_120 : vector<1024x32xf32>
    %reduce_sum3A_122 = arith.constant dense<0.000000e+00> : vector<1024xf32>
    %reduce_sum3A_123 = vector.multi_reduction <add>, %mul3A_121, %reduce_sum3A_122 [1] : vector<1024x32xf32> to vector<1024xf32>
    %broadcast_in_dim3A_124 = vector.shape_cast %reduce_sum3A_123 : vector<1024xf32> to vector<1024x1xf32>
    %mul3A_125 = arith.mulf %convert_element_type3A_21, %broadcast_in_dim3A_124 : vector<1024x1xf32>
    %add3A_126 = arith.addf %add3A_74, %mul3A_125 : vector<1024x1xf32>
    %dot_general3A_127 = arith.constant dense<0.000000e+00> : vector<1024x32xf32>
    %dot_general3A_128 = tpu.matmul %get3A_13, %get3A_89, %dot_general3A_127 {dimension_numbers = #tpu.dot_dimension_numbers<[1], [0], [0], [1], [0, 0, 1, 1], [], []>, transpose_lhs_hint = false} : vector<1024x32xf32>, vector<32x32xf32>, vector<1024x32xf32> -> vector<1024x32xf32>
    %tanh3A_129 = math.tanh %dot_general3A_128 : vector<1024x32xf32>
    %mul3A_130 = vector.broadcast %broadcast_in_dim3A_96 : vector<1x32xf32> to vector<1024x32xf32>
    %mul3A_131 = arith.mulf %tanh3A_129, %mul3A_130 : vector<1024x32xf32>
    %reduce_sum3A_132 = arith.constant dense<0.000000e+00> : vector<1024xf32>
    %reduce_sum3A_133 = vector.multi_reduction <add>, %mul3A_131, %reduce_sum3A_132 [1] : vector<1024x32xf32> to vector<1024xf32>
    %broadcast_in_dim3A_134 = vector.shape_cast %reduce_sum3A_133 : vector<1024xf32> to vector<1024x1xf32>
    %mul3A_135 = arith.mulf %convert_element_type3A_21, %broadcast_in_dim3A_134 : vector<1024x1xf32>
    %add3A_136 = arith.addf %add3A_84, %mul3A_135 : vector<1024x1xf32>
    %get3A_137 = arith.constant 2 : index
    %get3A_138 = arith.constant 0 : index
    %get3A_139 = arith.constant 0 : index
    %get3A_140 = vector.load %arg3[%get3A_137, %get3A_138, %get3A_139] : memref<4x32x32xf32, #tpu.memory_space<vmem>>, vector<1x32x32xf32>
    %get3A_141 = vector.shape_cast %get3A_140 : vector<1x32x32xf32> to vector<32x32xf32>
    %get3A_142 = arith.constant 2 : index
    %get3A_143 = arith.constant 0 : index
    %get3A_144 = arith.constant 0 : index
    %get3A_145 = vector.load %arg4[%get3A_142, %get3A_143, %get3A_144] : memref<4x32x1xf32, #tpu.memory_space<vmem>>, vector<1x32x1xf32>
    %get3A_146 = vector.shape_cast %get3A_145 : vector<1x32x1xf32> to vector<32x1xf32>
    %squeeze3A_147 = vector.shape_cast %get3A_146 : vector<32x1xf32> to vector<32xf32>
    %broadcast_in_dim3A_148 = vector.shape_cast %squeeze3A_147 : vector<32xf32> to vector<1x32xf32>
    %dot_general3A_149 = arith.constant dense<0.000000e+00> : vector<1024x32xf32>
    %dot_general3A_150 = tpu.matmul %get3A_4, %get3A_141, %dot_general3A_149 {dimension_numbers = #tpu.dot_dimension_numbers<[1], [0], [0], [1], [0, 0, 1, 1], [], []>, transpose_lhs_hint = false} : vector<1024x32xf32>, vector<32x32xf32>, vector<1024x32xf32> -> vector<1024x32xf32>
    %tanh3A_151 = math.tanh %dot_general3A_150 : vector<1024x32xf32>
    %mul3A_152 = vector.broadcast %broadcast_in_dim3A_148 : vector<1x32xf32> to vector<1024x32xf32>
    %mul3A_153 = arith.mulf %tanh3A_151, %mul3A_152 : vector<1024x32xf32>
    %reduce_sum3A_154 = arith.constant dense<0.000000e+00> : vector<1024xf32>
    %reduce_sum3A_155 = vector.multi_reduction <add>, %mul3A_153, %reduce_sum3A_154 [1] : vector<1024x32xf32> to vector<1024xf32>
    %broadcast_in_dim3A_156 = vector.shape_cast %reduce_sum3A_155 : vector<1024xf32> to vector<1024x1xf32>
    %mul3A_157 = arith.mulf %convert_element_type3A_26, %broadcast_in_dim3A_156 : vector<1024x1xf32>
    %add3A_158 = arith.addf %add3A_106, %mul3A_157 : vector<1024x1xf32>
    %dot_general3A_159 = arith.constant dense<0.000000e+00> : vector<1024x32xf32>
    %dot_general3A_160 = tpu.matmul %get3A_7, %get3A_141, %dot_general3A_159 {dimension_numbers = #tpu.dot_dimension_numbers<[1], [0], [0], [1], [0, 0, 1, 1], [], []>, transpose_lhs_hint = false} : vector<1024x32xf32>, vector<32x32xf32>, vector<1024x32xf32> -> vector<1024x32xf32>
    %tanh3A_161 = math.tanh %dot_general3A_160 : vector<1024x32xf32>
    %mul3A_162 = vector.broadcast %broadcast_in_dim3A_148 : vector<1x32xf32> to vector<1024x32xf32>
    %mul3A_163 = arith.mulf %tanh3A_161, %mul3A_162 : vector<1024x32xf32>
    %reduce_sum3A_164 = arith.constant dense<0.000000e+00> : vector<1024xf32>
    %reduce_sum3A_165 = vector.multi_reduction <add>, %mul3A_163, %reduce_sum3A_164 [1] : vector<1024x32xf32> to vector<1024xf32>
    %broadcast_in_dim3A_166 = vector.shape_cast %reduce_sum3A_165 : vector<1024xf32> to vector<1024x1xf32>
    %mul3A_167 = arith.mulf %convert_element_type3A_26, %broadcast_in_dim3A_166 : vector<1024x1xf32>
    %add3A_168 = arith.addf %add3A_116, %mul3A_167 : vector<1024x1xf32>
    %dot_general3A_169 = arith.constant dense<0.000000e+00> : vector<1024x32xf32>
    %dot_general3A_170 = tpu.matmul %get3A_10, %get3A_141, %dot_general3A_169 {dimension_numbers = #tpu.dot_dimension_numbers<[1], [0], [0], [1], [0, 0, 1, 1], [], []>, transpose_lhs_hint = false} : vector<1024x32xf32>, vector<32x32xf32>, vector<1024x32xf32> -> vector<1024x32xf32>
    %tanh3A_171 = math.tanh %dot_general3A_170 : vector<1024x32xf32>
    %mul3A_172 = vector.broadcast %broadcast_in_dim3A_148 : vector<1x32xf32> to vector<1024x32xf32>
    %mul3A_173 = arith.mulf %tanh3A_171, %mul3A_172 : vector<1024x32xf32>
    %reduce_sum3A_174 = arith.constant dense<0.000000e+00> : vector<1024xf32>
    %reduce_sum3A_175 = vector.multi_reduction <add>, %mul3A_173, %reduce_sum3A_174 [1] : vector<1024x32xf32> to vector<1024xf32>
    %broadcast_in_dim3A_176 = vector.shape_cast %reduce_sum3A_175 : vector<1024xf32> to vector<1024x1xf32>
    %mul3A_177 = arith.mulf %convert_element_type3A_26, %broadcast_in_dim3A_176 : vector<1024x1xf32>
    %add3A_178 = arith.addf %add3A_126, %mul3A_177 : vector<1024x1xf32>
    %dot_general3A_179 = arith.constant dense<0.000000e+00> : vector<1024x32xf32>
    %dot_general3A_180 = tpu.matmul %get3A_13, %get3A_141, %dot_general3A_179 {dimension_numbers = #tpu.dot_dimension_numbers<[1], [0], [0], [1], [0, 0, 1, 1], [], []>, transpose_lhs_hint = false} : vector<1024x32xf32>, vector<32x32xf32>, vector<1024x32xf32> -> vector<1024x32xf32>
    %tanh3A_181 = math.tanh %dot_general3A_180 : vector<1024x32xf32>
    %mul3A_182 = vector.broadcast %broadcast_in_dim3A_148 : vector<1x32xf32> to vector<1024x32xf32>
    %mul3A_183 = arith.mulf %tanh3A_181, %mul3A_182 : vector<1024x32xf32>
    %reduce_sum3A_184 = arith.constant dense<0.000000e+00> : vector<1024xf32>
    %reduce_sum3A_185 = vector.multi_reduction <add>, %mul3A_183, %reduce_sum3A_184 [1] : vector<1024x32xf32> to vector<1024xf32>
    %broadcast_in_dim3A_186 = vector.shape_cast %reduce_sum3A_185 : vector<1024xf32> to vector<1024x1xf32>
    %mul3A_187 = arith.mulf %convert_element_type3A_26, %broadcast_in_dim3A_186 : vector<1024x1xf32>
    %add3A_188 = arith.addf %add3A_136, %mul3A_187 : vector<1024x1xf32>
    %get3A_189 = arith.constant 3 : index
    %get3A_190 = arith.constant 0 : index
    %get3A_191 = arith.constant 0 : index
    %get3A_192 = vector.load %arg3[%get3A_189, %get3A_190, %get3A_191] : memref<4x32x32xf32, #tpu.memory_space<vmem>>, vector<1x32x32xf32>
    %get3A_193 = vector.shape_cast %get3A_192 : vector<1x32x32xf32> to vector<32x32xf32>
    %get3A_194 = arith.constant 3 : index
    %get3A_195 = arith.constant 0 : index
    %get3A_196 = arith.constant 0 : index
    %get3A_197 = vector.load %arg4[%get3A_194, %get3A_195, %get3A_196] : memref<4x32x1xf32, #tpu.memory_space<vmem>>, vector<1x32x1xf32>
    %get3A_198 = vector.shape_cast %get3A_197 : vector<1x32x1xf32> to vector<32x1xf32>
    %squeeze3A_199 = vector.shape_cast %get3A_198 : vector<32x1xf32> to vector<32xf32>
    %broadcast_in_dim3A_200 = vector.shape_cast %squeeze3A_199 : vector<32xf32> to vector<1x32xf32>
    %dot_general3A_201 = arith.constant dense<0.000000e+00> : vector<1024x32xf32>
    %dot_general3A_202 = tpu.matmul %get3A_4, %get3A_193, %dot_general3A_201 {dimension_numbers = #tpu.dot_dimension_numbers<[1], [0], [0], [1], [0, 0, 1, 1], [], []>, transpose_lhs_hint = false} : vector<1024x32xf32>, vector<32x32xf32>, vector<1024x32xf32> -> vector<1024x32xf32>
    %tanh3A_203 = math.tanh %dot_general3A_202 : vector<1024x32xf32>
    %mul3A_204 = vector.broadcast %broadcast_in_dim3A_200 : vector<1x32xf32> to vector<1024x32xf32>
    %mul3A_205 = arith.mulf %tanh3A_203, %mul3A_204 : vector<1024x32xf32>
    %reduce_sum3A_206 = arith.constant dense<0.000000e+00> : vector<1024xf32>
    %reduce_sum3A_207 = vector.multi_reduction <add>, %mul3A_205, %reduce_sum3A_206 [1] : vector<1024x32xf32> to vector<1024xf32>
    %broadcast_in_dim3A_208 = vector.shape_cast %reduce_sum3A_207 : vector<1024xf32> to vector<1024x1xf32>
    %mul3A_209 = arith.mulf %convert_element_type3A_31, %broadcast_in_dim3A_208 : vector<1024x1xf32>
    %add3A_210 = arith.addf %add3A_158, %mul3A_209 : vector<1024x1xf32>
    %dot_general3A_211 = arith.constant dense<0.000000e+00> : vector<1024x32xf32>
    %dot_general3A_212 = tpu.matmul %get3A_7, %get3A_193, %dot_general3A_211 {dimension_numbers = #tpu.dot_dimension_numbers<[1], [0], [0], [1], [0, 0, 1, 1], [], []>, transpose_lhs_hint = false} : vector<1024x32xf32>, vector<32x32xf32>, vector<1024x32xf32> -> vector<1024x32xf32>
    %tanh3A_213 = math.tanh %dot_general3A_212 : vector<1024x32xf32>
    %mul3A_214 = vector.broadcast %broadcast_in_dim3A_200 : vector<1x32xf32> to vector<1024x32xf32>
    %mul3A_215 = arith.mulf %tanh3A_213, %mul3A_214 : vector<1024x32xf32>
    %reduce_sum3A_216 = arith.constant dense<0.000000e+00> : vector<1024xf32>
    %reduce_sum3A_217 = vector.multi_reduction <add>, %mul3A_215, %reduce_sum3A_216 [1] : vector<1024x32xf32> to vector<1024xf32>
    %broadcast_in_dim3A_218 = vector.shape_cast %reduce_sum3A_217 : vector<1024xf32> to vector<1024x1xf32>
    %mul3A_219 = arith.mulf %convert_element_type3A_31, %broadcast_in_dim3A_218 : vector<1024x1xf32>
    %add3A_220 = arith.addf %add3A_168, %mul3A_219 : vector<1024x1xf32>
    %dot_general3A_221 = arith.constant dense<0.000000e+00> : vector<1024x32xf32>
    %dot_general3A_222 = tpu.matmul %get3A_10, %get3A_193, %dot_general3A_221 {dimension_numbers = #tpu.dot_dimension_numbers<[1], [0], [0], [1], [0, 0, 1, 1], [], []>, transpose_lhs_hint = false} : vector<1024x32xf32>, vector<32x32xf32>, vector<1024x32xf32> -> vector<1024x32xf32>
    %tanh3A_223 = math.tanh %dot_general3A_222 : vector<1024x32xf32>
    %mul3A_224 = vector.broadcast %broadcast_in_dim3A_200 : vector<1x32xf32> to vector<1024x32xf32>
    %mul3A_225 = arith.mulf %tanh3A_223, %mul3A_224 : vector<1024x32xf32>
    %reduce_sum3A_226 = arith.constant dense<0.000000e+00> : vector<1024xf32>
    %reduce_sum3A_227 = vector.multi_reduction <add>, %mul3A_225, %reduce_sum3A_226 [1] : vector<1024x32xf32> to vector<1024xf32>
    %broadcast_in_dim3A_228 = vector.shape_cast %reduce_sum3A_227 : vector<1024xf32> to vector<1024x1xf32>
    %mul3A_229 = arith.mulf %convert_element_type3A_31, %broadcast_in_dim3A_228 : vector<1024x1xf32>
    %add3A_230 = arith.addf %add3A_178, %mul3A_229 : vector<1024x1xf32>
    %dot_general3A_231 = arith.constant dense<0.000000e+00> : vector<1024x32xf32>
    %dot_general3A_232 = tpu.matmul %get3A_13, %get3A_193, %dot_general3A_231 {dimension_numbers = #tpu.dot_dimension_numbers<[1], [0], [0], [1], [0, 0, 1, 1], [], []>, transpose_lhs_hint = false} : vector<1024x32xf32>, vector<32x32xf32>, vector<1024x32xf32> -> vector<1024x32xf32>
    %tanh3A_233 = math.tanh %dot_general3A_232 : vector<1024x32xf32>
    %mul3A_234 = vector.broadcast %broadcast_in_dim3A_200 : vector<1x32xf32> to vector<1024x32xf32>
    %mul3A_235 = arith.mulf %tanh3A_233, %mul3A_234 : vector<1024x32xf32>
    %reduce_sum3A_236 = arith.constant dense<0.000000e+00> : vector<1024xf32>
    %reduce_sum3A_237 = vector.multi_reduction <add>, %mul3A_235, %reduce_sum3A_236 [1] : vector<1024x32xf32> to vector<1024xf32>
    %broadcast_in_dim3A_238 = vector.shape_cast %reduce_sum3A_237 : vector<1024xf32> to vector<1024x1xf32>
    %mul3A_239 = arith.mulf %convert_element_type3A_31, %broadcast_in_dim3A_238 : vector<1024x1xf32>
    %add3A_240 = arith.addf %add3A_188, %mul3A_239 : vector<1024x1xf32>
    %max3A = arith.maximumf %add3A_210, %add3A_220 : vector<1024x1xf32>
    %max3A_241 = arith.maximumf %max3A, %add3A_230 : vector<1024x1xf32>
    %max3A_242 = arith.maximumf %max3A_241, %add3A_240 : vector<1024x1xf32>
    %sub3A = arith.subf %add3A_210, %max3A_242 : vector<1024x1xf32>
    %exp3A = math.exp %sub3A : vector<1024x1xf32>
    %sub3A_243 = arith.subf %add3A_220, %max3A_242 : vector<1024x1xf32>
    %exp3A_244 = math.exp %sub3A_243 : vector<1024x1xf32>
    %sub3A_245 = arith.subf %add3A_230, %max3A_242 : vector<1024x1xf32>
    %exp3A_246 = math.exp %sub3A_245 : vector<1024x1xf32>
    %sub3A_247 = arith.subf %add3A_240, %max3A_242 : vector<1024x1xf32>
    %exp3A_248 = math.exp %sub3A_247 : vector<1024x1xf32>
    %add3A_249 = arith.addf %exp3A, %exp3A_244 : vector<1024x1xf32>
    %add3A_250 = arith.addf %add3A_249, %exp3A_246 : vector<1024x1xf32>
    %add3A_251 = arith.addf %add3A_250, %exp3A_248 : vector<1024x1xf32>
    %div3A = arith.constant 1.000000e+00 : f32
    %div3A_252 = vector.broadcast %div3A : f32 to vector<1024x1xf32>
    %div3A_253 = arith.divf %div3A_252, %add3A_251 : vector<1024x1xf32>
    %broadcast_in_dim3A_254 = arith.constant 0.000000e+00 : f32
    %broadcast_in_dim3A_255 = vector.broadcast %broadcast_in_dim3A_254 : f32 to vector<1024x32xf32>
    %mul3A_256 = arith.mulf %exp3A, %div3A_253 : vector<1024x1xf32>
    %mul3A_257 = vector.broadcast %mul3A_256 : vector<1024x1xf32> to vector<1024x32xf32>
    %mul3A_258 = arith.mulf %mul3A_257, %get3A_4 : vector<1024x32xf32>
    %add3A_259 = arith.addf %broadcast_in_dim3A_255, %mul3A_258 : vector<1024x32xf32>
    %mul3A_260 = arith.mulf %exp3A_244, %div3A_253 : vector<1024x1xf32>
    %mul3A_261 = vector.broadcast %mul3A_260 : vector<1024x1xf32> to vector<1024x32xf32>
    %mul3A_262 = arith.mulf %mul3A_261, %get3A_7 : vector<1024x32xf32>
    %add3A_263 = arith.addf %add3A_259, %mul3A_262 : vector<1024x32xf32>
    %mul3A_264 = arith.mulf %exp3A_246, %div3A_253 : vector<1024x1xf32>
    %mul3A_265 = vector.broadcast %mul3A_264 : vector<1024x1xf32> to vector<1024x32xf32>
    %mul3A_266 = arith.mulf %mul3A_265, %get3A_10 : vector<1024x32xf32>
    %add3A_267 = arith.addf %add3A_263, %mul3A_266 : vector<1024x32xf32>
    %mul3A_268 = arith.mulf %exp3A_248, %div3A_253 : vector<1024x1xf32>
    %mul3A_269 = vector.broadcast %mul3A_268 : vector<1024x1xf32> to vector<1024x32xf32>
    %mul3A_270 = arith.mulf %mul3A_269, %get3A_13 : vector<1024x32xf32>
    %add3A_271 = arith.addf %add3A_267, %mul3A_270 : vector<1024x32xf32>
    %broadcast_in_dim3A_272 = arith.constant 0.000000e+00 : f32
    %broadcast_in_dim3A_273 = vector.broadcast %broadcast_in_dim3A_272 : f32 to vector<1024x128xf32>
    %get3A_274 = arith.constant 0 : index
    %get3A_275 = arith.constant 0 : index
    %get3A_276 = arith.constant 0 : index
    %get3A_277 = vector.load %arg5[%get3A_274, %get3A_275, %get3A_276] : memref<4x32x128xf32, #tpu.memory_space<vmem>>, vector<1x32x128xf32>
    %get3A_278 = vector.shape_cast %get3A_277 : vector<1x32x128xf32> to vector<32x128xf32>
    %dot_general3A_279 = arith.constant dense<0.000000e+00> : vector<1024x128xf32>
    %dot_general3A_280 = tpu.matmul %add3A_271, %get3A_278, %dot_general3A_279 {dimension_numbers = #tpu.dot_dimension_numbers<[1], [0], [0], [1], [0, 0, 1, 1], [], []>, transpose_lhs_hint = false} : vector<1024x32xf32>, vector<32x128xf32>, vector<1024x128xf32> -> vector<1024x128xf32>
    %mul3A_281 = vector.broadcast %convert_element_type3A_16 : vector<1024x1xf32> to vector<1024x128xf32>
    %mul3A_282 = arith.mulf %mul3A_281, %dot_general3A_280 : vector<1024x128xf32>
    %add3A_283 = arith.addf %broadcast_in_dim3A_273, %mul3A_282 : vector<1024x128xf32>
    %get3A_284 = arith.constant 1 : index
    %get3A_285 = arith.constant 0 : index
    %get3A_286 = arith.constant 0 : index
    %get3A_287 = vector.load %arg5[%get3A_284, %get3A_285, %get3A_286] : memref<4x32x128xf32, #tpu.memory_space<vmem>>, vector<1x32x128xf32>
    %get3A_288 = vector.shape_cast %get3A_287 : vector<1x32x128xf32> to vector<32x128xf32>
    %dot_general3A_289 = arith.constant dense<0.000000e+00> : vector<1024x128xf32>
    %dot_general3A_290 = tpu.matmul %add3A_271, %get3A_288, %dot_general3A_289 {dimension_numbers = #tpu.dot_dimension_numbers<[1], [0], [0], [1], [0, 0, 1, 1], [], []>, transpose_lhs_hint = false} : vector<1024x32xf32>, vector<32x128xf32>, vector<1024x128xf32> -> vector<1024x128xf32>
    %mul3A_291 = vector.broadcast %convert_element_type3A_21 : vector<1024x1xf32> to vector<1024x128xf32>
    %mul3A_292 = arith.mulf %mul3A_291, %dot_general3A_290 : vector<1024x128xf32>
    %add3A_293 = arith.addf %add3A_283, %mul3A_292 : vector<1024x128xf32>
    %get3A_294 = arith.constant 2 : index
    %get3A_295 = arith.constant 0 : index
    %get3A_296 = arith.constant 0 : index
    %get3A_297 = vector.load %arg5[%get3A_294, %get3A_295, %get3A_296] : memref<4x32x128xf32, #tpu.memory_space<vmem>>, vector<1x32x128xf32>
    %get3A_298 = vector.shape_cast %get3A_297 : vector<1x32x128xf32> to vector<32x128xf32>
    %dot_general3A_299 = arith.constant dense<0.000000e+00> : vector<1024x128xf32>
    %dot_general3A_300 = tpu.matmul %add3A_271, %get3A_298, %dot_general3A_299 {dimension_numbers = #tpu.dot_dimension_numbers<[1], [0], [0], [1], [0, 0, 1, 1], [], []>, transpose_lhs_hint = false} : vector<1024x32xf32>, vector<32x128xf32>, vector<1024x128xf32> -> vector<1024x128xf32>
    %mul3A_301 = vector.broadcast %convert_element_type3A_26 : vector<1024x1xf32> to vector<1024x128xf32>
    %mul3A_302 = arith.mulf %mul3A_301, %dot_general3A_300 : vector<1024x128xf32>
    %add3A_303 = arith.addf %add3A_293, %mul3A_302 : vector<1024x128xf32>
    %get3A_304 = arith.constant 3 : index
    %get3A_305 = arith.constant 0 : index
    %get3A_306 = arith.constant 0 : index
    %get3A_307 = vector.load %arg5[%get3A_304, %get3A_305, %get3A_306] : memref<4x32x128xf32, #tpu.memory_space<vmem>>, vector<1x32x128xf32>
    %get3A_308 = vector.shape_cast %get3A_307 : vector<1x32x128xf32> to vector<32x128xf32>
    %dot_general3A_309 = arith.constant dense<0.000000e+00> : vector<1024x128xf32>
    %dot_general3A_310 = tpu.matmul %add3A_271, %get3A_308, %dot_general3A_309 {dimension_numbers = #tpu.dot_dimension_numbers<[1], [0], [0], [1], [0, 0, 1, 1], [], []>, transpose_lhs_hint = false} : vector<1024x32xf32>, vector<32x128xf32>, vector<1024x128xf32> -> vector<1024x128xf32>
    %mul3A_311 = vector.broadcast %convert_element_type3A_31 : vector<1024x1xf32> to vector<1024x128xf32>
    %mul3A_312 = arith.mulf %mul3A_311, %dot_general3A_310 : vector<1024x128xf32>
    %add3A_313 = arith.addf %add3A_303, %mul3A_312 : vector<1024x128xf32>
    %mul3A_314 = arith.mulf %add3A_313, %add3A_313 : vector<1024x128xf32>
    %reduce_sum3A_315 = arith.constant dense<0.000000e+00> : vector<1024xf32>
    %reduce_sum3A_316 = vector.multi_reduction <add>, %mul3A_314, %reduce_sum3A_315 [1] : vector<1024x128xf32> to vector<1024xf32>
    %broadcast_in_dim3A_317 = vector.shape_cast %reduce_sum3A_316 : vector<1024xf32> to vector<1024x1xf32>
    %sqrt3A = math.sqrt %broadcast_in_dim3A_317 : vector<1024x1xf32>
    %max3A_318 = arith.constant 9.99999996E-13 : f32
    %max3A_319 = vector.broadcast %max3A_318 : f32 to vector<1024x1xf32>
    %max3A_320 = arith.maximumf %sqrt3A, %max3A_319 : vector<1024x1xf32>
    %div3A_321 = vector.broadcast %max3A_320 : vector<1024x1xf32> to vector<1024x128xf32>
    %div3A_322 = arith.divf %add3A_313, %div3A_321 : vector<1024x128xf32>
    %swap3A = arith.constant 0 : index
    %swap3A_323 = arith.constant 0 : index
    %swap3A_324 = vector.load %arg6[%swap3A, %swap3A_323] : memref<1024x128xf32, #tpu.memory_space<vmem>>, vector<1024x128xf32>
    tpu.vector_store %arg6[%swap3A, %swap3A_323], %div3A_322 {strides = array<i32>} : memref<1024x128xf32, #tpu.memory_space<vmem>>, vector<1024x128xf32>,
    return
  }
  func.func @transform_0(%arg0: i32) -> (i32, i32) {
    %c0_i32 = arith.constant 0 : i32
    %c0_i32_0 = arith.constant 0 : i32
    return %arg0, %c0_i32 : i32, i32
  }
  func.func @transform_1(%arg0: i32) -> (i32, i32) {
    %c0_i32 = arith.constant 0 : i32
    %c0_i32_0 = arith.constant 0 : i32
    return %arg0, %c0_i32 : i32, i32
  }
  func.func @transform_2(%arg0: i32) -> (i32, i32, i32) {
    %c0_i32 = arith.constant 0 : i32
    %c0_i32_0 = arith.constant 0 : i32
    %c0_i32_1 = arith.constant 0 : i32
    %c0_i32_2 = arith.constant 0 : i32
    return %c0_i32, %c0_i32_0, %c0_i32_1 : i32, i32, i32
  }
  func.func @transform_3(%arg0: i32) -> (i32, i32, i32) {
    %c0_i32 = arith.constant 0 : i32
    %c0_i32_0 = arith.constant 0 : i32
    %c0_i32_1 = arith.constant 0 : i32
    %c0_i32_2 = arith.constant 0 : i32
    return %c0_i32, %c0_i32_0, %c0_i32_1 : i32, i32, i32
  }
  func.func @transform_4(%arg0: i32) -> (i32, i32, i32) {
    %c0_i32 = arith.constant 0 : i32
    %c0_i32_0 = arith.constant 0 : i32
    %c0_i32_1 = arith.constant 0 : i32
    %c0_i32_2 = arith.constant 0 : i32
    return %c0_i32, %c0_i32_0, %c0_i32_1 : i32, i32, i32
  }
  func.func @transform_5(%arg0: i32) -> (i32, i32) {
    %c0_i32 = arith.constant 0 : i32
    %c0_i32_0 = arith.constant 0 : i32
    return %arg0, %c0_i32 : i32, i32
  }
}

</mosaic_0001>

<sc_bundles>
// kernel: kernel.4.cloned.1.call-start
scs
__scs_entry_jumppad:
0x0: {  	(pc) =	sbr.rel $0x88, $3  }
0x1: {  	(tag) =	ssettag $0x0;
	lr =	simm.s32 $0x1  }
0x2: {  	[smem:$0x3F9B] =	sst lr;
	_ =	strace $0xD0000000  }
0x3: {  	_ = 	snop  }
0x4: {  	_ = 	snop  }
0x5: {  	_ = 	snop  }
0x6: {  	_ = 	snop  }
0x7: {  	_ = 	snop  }
__scs_overlays_trampoline_lowered:
0x8: {  	[smem:$0x3FAA] =	sst s0  }
0x9: {  	[smem:$0x3FAB] =	sst s1  }
0xa: {  	[smem:$0x3FAC] =	sst s2  }
0xb: {  	[smem:$0x3FAD] =	sst s3  }
0xc: {  	[smem:$0x3FAE] =	sst s4  }
0xd: {  	[smem:$0x3FAF] =	sst s5  }
0xe: {  	[smem:$0x3FB0] =	sst s6  }
0xf: {  	[smem:$0x3FB1] =	sst s7  }
0x10: {  	[smem:$0x3FB2] =	sst s8  }
0x11: {  	[smem:$0x3FB3] =	sst s9;
	s0 =	simm.s32 @!p0 $0x0  }
0x12: {  	s1 =	sld [smem:$0x3F99];
	s0 =	simm.s32 @p0 $0x1  }
0x13: {  	[smem:$0x3FB4] =	sst s0;
	s0 =	simm.s32 @!p1 $0x0  }
0x14: {  	s2 =	sld [smem:$0x3F98];
	s0 =	simm.s32 @p1 $0x1  }
0x15: {  	[smem:$0x3FB5] =	sst s0;
	s0 =	simm.s32 @!p2 $0x0  }
0x16: {  	s3 =	sld [smem:$0x3FDB];
	s0 =	simm.s32 @p2 $0x1  }
0x17: {  	s4 =	simm.s32 $0x1BF5;
	[smem:$0x3FB7] =	sst s0  }
0x18: {  	s0 =	sld [smem:$0x3F9A];
	_ =	swait.ge [sflag:s4], $0x0  }
0x19: {  	s7 =	sld [smem:$0x3F9B]  }
0x1a: {  	s8 =	sadd.s32 $0xFFFFE003, lr  }
0x1b: {  	s9 =	sadd.s32 $0xFFFFFEF7, lr;
	s5 =	simm.s32 $0xFFFFFFFF;
	p2 =	slt.u32 s8, $0xFFFFF086  }
0x1c: {  	p1 =	slt.u32 s9, $0xF7A;
	s5 =	simm.s32 @!p2 $0x0  }
0x1d: {  	s5 =	simm.s32 @p1 $0x1;
	p0 =	seq.s32 s7, s2  }
0x1e: {  	s7 =	smul.u32 @!p0 $0xF7A, s2;
	p2 =	seq.s32 @!p0 s5, $0x0  }
0x1f: {  	s9 =	smul.u32 $0xF7A, s1;
	s8 =	simm.s32 @!p0 $0x1BF5;
	p2 =	por !p2, p0  }
0x20: {  	[sflag:s8] =	ssyncset.s32 @!p0 $0xFFFFF086;
	s6 =	sadd.s32 @!p0 s3, s7;
	s7 =	simm.s32 @!p0 $0x108  }
0x21: {  	s3 =	sadd.s32 s3, s9;
	s6 =	sadd.s32 @!p0 $0x88, s6;
	s7 =	simm.s32 @p2 $0x1082  }
0x22: {  	[simem:s7], [sflag:s8] =	dma.local @!p0 [hbm:s6], $0xF7A  }
0x23: {  	s9 =	sor.u32 $0xD0000000, s2;
	s6 =	simm.s32 $0x108;
	_ =	swait.ge @!p0 [sflag:s8], $0x0  }
0x24: {  	s3 =	sadd.s32 $0x88, s3;
	s6 =	simm.s32 @!p1 $0x1082;
	[sflag:s4] =	ssyncset.s32 $0xFFFFF086  }
0x25: {  	[simem:s6], [sflag:s4] =	dma.local [hbm:s3], $0xF7A  }
0x26: {  	[smem:$0x3F9B] =	sst s1;
	(tag) =	ssettag s2;
	_ =	strace s9  }
0x27: {  	s1 =	sld [smem:$0x3FAB]  }
0x28: {  	s2 =	sld [smem:$0x3FAC]  }
0x29: {  	s4 =	sld [smem:$0x3FAE]  }
0x2a: {  	p0 =	seq.s32 s5, $0x0;
	s5 =	sld [smem:$0x3FAF]  }
0x2b: {  	s6 =	sld [smem:$0x3FB0]  }
0x2c: {  	s7 =	sld [smem:$0x3FB1]  }
0x2d: {  	s3 =	simm.s32 $0x108;
	s8 =	sld [smem:$0x3FB2]  }
0x2e: {  	s3 =	simm.s32 @!p0 $0x1082;
	s9 =	sld [smem:$0x3FB3]  }
0x2f: {  	lr =	sadd.s32 s0, s3;
	s0 =	sld [smem:$0x3FAA]  }
0x30: {  	s3 =	sld [smem:$0x3FAD]  }
0x31: {  	[smem:$0x3FB6] =	sst s10  }
0x32: {  	s10 =	sld [smem:$0x3FB4];
	_ =	sdelay $0x3  }
0x33: {  	p0 =	seq.s32 s10, $0x1;
	s10 =	sld [smem:$0x3FB6];
	_ =	sdelay $0x3  }
0x34: {  	[smem:$0x3FB6] =	sst s10  }
0x35: {  	s10 =	sld [smem:$0x3FB5];
	_ =	sdelay $0x3  }
0x36: {  	p1 =	seq.s32 s10, $0x1;
	s10 =	sld [smem:$0x3FB6];
	_ =	sdelay $0x3  }
0x37: {  	[smem:$0x3FB6] =	sst s10  }
0x38: {  	s10 =	sld [smem:$0x3FB7]  }
0x39: {  	_ = 	snop;
	(pc) =	sbr.ind lr, $3  }
0x3a: {  	_ = 	snop  }
0x3b: {  	_ = 	snop  }
0x3c: {  	p2 =	seq.s32 s10, $0x1;
	s10 =	sld [smem:$0x3FB6]  }
0x3d: {  	_ =	shalt  }
0x3e: {  	_ =	shalt  }
0x3f: {  	_ =	shalt  }
0x40: {  	_ =	shalt  }
0x41: {  	_ =	shalt  }
0x42: {  	_ =	shalt  }
0x43: {  	_ =	shalt  }
0x44: {  	_ =	shalt  }
0x45: {  	_ =	shalt  }
0x46: {  	_ =	shalt  }
0x47: {  	_ =	shalt  }
0x48: {  	_ =	shalt  }
0x49: {  	_ =	shalt  }
0x4a: {  	_ =	shalt  }
0x4b: {  	_ =	shalt  }
0x4c: {  	_ =	shalt  }
0x4d: {  	_ =	shalt  }
0x4e: {  	_ =	shalt  }
0x4f: {  	_ =	shalt  }
0x50: {  	_ =	shalt  }
0x51: {  	_ =	shalt  }
0x52: {  	_ =	shalt  }
0x53: {  	_ =	shalt  }
0x54: {  	_ =	shalt  }
0x55: {  	_ =	shalt  }
0x56: {  	_ =	shalt  }
0x57: {  	_ =	shalt  }
0x58: {  	_ =	shalt  }
0x59: {  	_ =	shalt  }
0x5a: {  	_ =	shalt  }
0x5b: {  	_ =	shalt  }
0x5c: {  	_ =	shalt  }
0x5d: {  	_ =	shalt  }
0x5e: {  	_ =	shalt  }
0x5f: {  	_ =	shalt  }
0x60: {  	_ =	shalt  }
0x61: {  	_ =	shalt  }
0x62: {  	_ =	shalt  }
0x63: {  	_ =	shalt  }
0x64: {  	_ =	shalt  }
0x65: {  	_ =	shalt  }
0x66: {  	_ =	shalt  }
0x67: {  	_ =	shalt  }
0x68: {  	_ =	shalt  }
0x69: {  	_ =	shalt  }
0x6a: {  	_ =	shalt  }
0x6b: {  	_ =	shalt  }
0x6c: {  	_ =	shalt  }
0x6d: {  	_ =	shalt  }
0x6e: {  	_ =	shalt  }
0x6f: {  	_ =	shalt  }
0x70: {  	_ =	shalt  }
0x71: {  	_ =	shalt  }
0x72: {  	_ =	shalt  }
0x73: {  	_ =	shalt  }
0x74: {  	_ =	shalt  }
0x75: {  	_ =	shalt  }
0x76: {  	_ =	shalt  }
0x77: {  	_ =	shalt  }
0x78: {  	_ =	shalt  }
0x79: {  	_ =	shalt  }
0x7a: {  	_ =	shalt  }
0x7b: {  	_ =	shalt  }
0x7c: {  	_ =	shalt  }
0x7d: {  	_ =	shalt  }
0x7e: {  	_ =	shalt  }
0x7f: {  	_ =	shalt  }
0x80: {  	_ =	shalt  }
0x81: {  	_ =	shalt  }
0x82: {  	_ =	shalt  }
0x83: {  	_ =	shalt  }
0x84: {  	_ =	shalt  }
0x85: {  	_ =	shalt  }
0x86: {  	_ =	shalt  }
0x87: {  	_ =	shalt  }
.Lfunc_end0:
.L_simem_size_0:
called_computation_lowered:
.L_overlay_start_0:
0x88: {  	s2 =	sld [smem:$0x3FD9]  }
0x89: {  	s3 =	sld [smem:$0x3FFE];
	_ =	sdelay $0x1  }
0x8a: {  	s1 =	srdreg.scid  }
0x8b: {  	s0 =	sand.u32 $0x1, s1  }
0x8c: {  	s17 =	sshll.u32 s0, $0xA;
	s2 =	sadd.s32 s3, s2  }
0x8d: {  	s2 =	sadd.s32 s2, s17  }
0x8e: {  	[smem:$0x3FC2] =	sst s2  }
0x8f: {  	_ = 	snop  }
0x90: {  	s2 =	sld [smem:$0x3FD0];
	(tm) =	ssettm $0x1  }
0x91: {  	s18 =	sld [smem:$0x3FFB];
	_ =	sdelay $0x3  }
0x92: {  	_ =	strace s18  }
0x93: {  	s3 =	sld [smem:$0x3FFC];
	_ =	sdelay $0x3  }
0x94: {  	_ =	strace s3  }
0x95: {  	s3 =	sld [smem:$0x3FFD];
	_ =	sdelay $0x3  }
0x96: {  	_ =	strace s3  }
0x97: {  	_ =	strace $0x8FFFFFFF  }
0x98: {  	s19 =	sld [smem:$0x3FDB];
	_ =	sdelay $0x1  }
0x99: {  	s4 =	simm.s32 $_scs_section_size  }
0x9a: {  	s5 =	simm.s32 $_size__tile_overlayer_lowered;
	s6 =	simm.s32 $_tile_overlayer_lowered  }
0x9b: {  	s22 =	simm.s32 $0x1BFF;
	s21 =	sshll.u32 s6, $0x1;
	s3 =	sadd.s32 s4, s19  }
0x9c: {  	s7 =	simm.s32 $0x0;
	s20 =	sshll.u32 s5, $0x1;
	s5 =	sadd.s32 s21, s3  }
0x9d: {  	[timem:s7], [sflag:s22] =	dma.local [hbm:s5], s20  }
0x9e: {  	_ =	swait.ge [sflag:s22], s20  }
0x9f: {  	s4 =	ssub.s32 $0x0, s20;
	[sflag:s22] =	ssyncset.done $0x0  }
0xa0: {  	[sflag:s22] =	ssyncadd.s32 s4;
	_ =	sdelay $0x1  }
0xa1: {  	s23 =	simm.s32 $0x1B8B  }
0xa2: {  	_ =	swait.ge [sflag:s23], $0x1  }
0xa3: {  	[sflag:s23] =	ssyncset.done $0x0  }
0xa4: {  	s25 =	simm.s32 $0x1B8E;
	s24 =	sld [smem:$0x3FFE];
	[sflag:s23] =	ssyncadd.s32 $0xFFFFFFFF  }
0xa5: {  	s26 =	simm.s32 $execute0_lowered;
	[smem:$0x3FD2] =	sst s25  }
0xa6: {  	s5 =	sshll.u32 s26, $0x1;
	_ =	strace $0x80000046;
	[dreg:$0x1] =	wrdreg $0xFFFFFFFF  }
0xa7: {  	s28 =	simm.s32 $_size_execute0_lowered;
	s3 =	sadd.s32 s3, s5;
	[dreg:$0x0] =	wrdreg $0x0  }
0xa8: {  	s5 =	sshll.u32 s28, $0x1;
	[dreg:$0x2] =	wrdreg s3  }
0xa9: {  	[dreg:$0x3] =	wrdreg s5  }
0xaa: {  	[dreg:$0x4] =	wrdreg $0xC0  }
0xab: {  	_ =	task [dreg:s7], $0x5FFFF  }
0xac: {  	[dreg:$0x1] =	wrdreg $0xFFFFFFFF  }
0xad: {  	[dreg:$0x0] =	wrdreg $0x60  }
0xae: {  	[dreg:$0x2] =	wrdreg s24  }
0xaf: {  	[dreg:$0x3] =	wrdreg s2  }
0xb0: {  	[dreg:$0x4] =	wrdreg $0x9  }
0xb1: {  	_ =	task.clear_ibuf [dreg:s7], $0x5FFFF;
	_ =	strace $0x90000046  }
0xb2: {  	s29 =	simm.s32 $0x9;
	_ =	strace $0x80000048  }
0xb3: {  	_ =	swait.ge [sflag:s29], $0x1  }
0xb4: {  	[sflag:s29] =	ssyncadd.s32 $0xFFFFFFFF  }
0xb5: {  	_ =	strace $0x90000048  }
0xb6: {  	_ =	sfence  }
0xb7: {  	s30 =	sld [smem:$0x0];
	_ =	sdelay $0x2  }
0xb8: {  	s31 =	sshll.u32 s1, $0xD;
	s1 =	sshrl.u32 s1, $0x2  }
0xb9: {  	s3 =	sand.u32 $0x4000, s31;
	s1 =	sadd.s32 s1, s30  }
0xba: {  	s0 =	sor.u32 s3, s0;
	s1 =	sshll.u32 s1, $0x11  }
0xbb: {  	s0 =	sor.u32 s1, s0  }
0xbc: {  	s0 =	sadd.s32 $0x8F2B, s0  }
0xbd: {  	[sflag:s0] =	ssyncadd.remote.s32 $0x1  }
0xbe: {  	_ =	sfence.sel $0xFFFF  }
0xbf: {  	[dreg:$0x0] =	wrdreg $0xFFFFFFFF;
	(pc) =	sbr.abs _section_cstart, $3  }
0xc0: {  	[dreg:$0x1] =	wrdreg $0xFFFFFFFF  }
0xc1: {  	_ =	task.clear_ibuf [dreg:s7], $0x2FFFF;
	_ =	strace $0x9FFFFFFF  }
0xc2: {  	(tm) =	ssettm $0x7FFFFFFF  }
0xc3: {  	_ =	shalt  }
tec
execute0_lowered:
.L_overlay_start_1:
0x0: {  	(tag) =	ssettag $0x1  }
0x1: {  	s1 =	srdreg.scid  }
0x2: {  	s0 =	stileid.u32;
	s3 =	rddreg [dreg:$0x0]  }
0x3: {  	s5 =	rddreg [dreg:$0x1];
	s2 =	simm.s32 $0x0;
	s9 =	simm.s32 $0x2800  }
0x4: {  	s10 =	simm.s32 $0x1;
	s11 =	simm.s32 $0x3200;
	s12 =	simm.s32 $0x0  }
0x5: {  	s4 =	sand.u32 $0x1, s1;
	s31 =	sshll.u32 s0, $0x1;
	s1 =	rddreg [dreg:$0x2]  }
0x6: {  	[smem:$0x7FF] =	sst s2;
	s6 =	sor.u32 s4, s31;
	s4 =	ssub.s32 $0x2, s4  }
0x7: {  	s7 =	smul.u32 $0x500, s6;
	s8 =	sshrl.u32 s4, $0x1;
	s6 =	sshll.u32 s6, $0xC  }
0x8: {  	_ =	strace $0x80000047;
	s8 =	ssub.s32 s4, s8;
	s5 =	sadd.s32 s5, s6  }
0x9: {  	s7 =	sadd.s32 s7, s3;
	s3 =	sadd.s32 $0x61B800, s3;
	s6 =	smax.u32 s8, $0x1  }
0xa: {  	s8 =	simm.s32 $0x50;
	s4 =	sadd.s32 $0x1000, s7;
	s7 =	simm.s32 $0x2  }
.LBB2_1:
0xb: {  	[tilespmem:s2], [sflag:$0x2] =	stream.linear.gather [hbm4b:s4+s2], $0x2800, $0x38;
	[tilespmem:$0xB200] =	vst v63  }
0xc: {  	_ =	swait.ge [sflag:s7], $0x2800  }
0xd: {  	[sflag:s7] =	ssyncset.done $0x0  }
0xe: {  	s13 =	simm.s32 $0x3280;
	s14 =	simm.s32 $0x0;
	[sflag:s7] =	ssyncadd.s32 $0xFFFFD800  }
.LBB2_2:
0xf: {  	s15 =	sshra.s32 s14, $0x2  }
0x10: {  	[tilespmem:s9], [sflag:$0x1] =	stream.indirect.gather [hbm4b:s3+s8], $0x20, s15, s8, $0xb8;
	[tilespmem:$0xB200] =	vst v63  }
0x11: {  	_ =	swait.ge [sflag:s10], $0xA00  }
0x12: {  	[sflag:s10] =	ssyncset.done $0x0  }
0x13: {  	[sflag:s10] =	ssyncadd.s32 $0xFFFFF600  }
0x14: {  	v0 =	vld [tilespmem:$0x2800]  }
0x15: {  	v1 =	vld [tilespmem:$0x2810]  }
0x16: {  	v2 =	vld [tilespmem:$0x2820]  }
0x17: {  	v3 =	vld [tilespmem:$0x2830]  }
0x18: {  	v4 =	vld [tilespmem:$0x2840]  }
0x19: {  	v5 =	vld [tilespmem:$0x2850]  }
0x1a: {  	v6 =	vld [tilespmem:$0x2860]  }
0x1b: {  	v36 =	vld [tilespmem:$0x2870];
	v0 =	vadd.f32 v2, v0  }
0x1c: {  	v37 =	vld [tilespmem:$0x2880];
	v1 =	vadd.f32 v3, v1  }
0x1d: {  	v38 =	vld [tilespmem:$0x2890];
	v0 =	vadd.f32 v4, v0  }
0x1e: {  	v39 =	vld [tilespmem:$0x28A0];
	v1 =	vadd.f32 v5, v1  }
0x1f: {  	v40 =	vld [tilespmem:$0x28B0];
	v0 =	vadd.f32 v6, v0  }
0x20: {  	v41 =	vld [tilespmem:$0x28C0];
	v1 =	vadd.f32 v36, v1  }
0x21: {  	v42 =	vld [tilespmem:$0x28D0];
	v0 =	vadd.f32 v37, v0  }
0x22: {  	v43 =	vld [tilespmem:$0x28E0];
	v1 =	vadd.f32 v38, v1  }
0x23: {  	v44 =	vld [tilespmem:$0x28F0];
	v0 =	vadd.f32 v39, v0  }
0x24: {  	v45 =	vld [tilespmem:$0x2900];
	v1 =	vadd.f32 v40, v1  }
0x25: {  	v46 =	vld [tilespmem:$0x2910];
	v0 =	vadd.f32 v41, v0  }
0x26: {  	v47 =	vld [tilespmem:$0x2920];
	v1 =	vadd.f32 v42, v1  }
0x27: {  	v48 =	vld [tilespmem:$0x2930];
	v0 =	vadd.f32 v43, v0  }
0x28: {  	v1 =	vadd.f32 v44, v1  }
0x29: {  	v0 =	vadd.f32 v45, v0  }
0x2a: {  	v1 =	vadd.f32 v46, v1  }
0x2b: {  	v0 =	vadd.f32 v47, v0  }
0x2c: {  	v1 =	vadd.f32 v48, v1  }
0x2d: {  	[tilespmem:s13+$0xFFFFFF80] =	vst v0  }
0x2e: {  	[tilespmem:s13+$0xFFFFFF90] =	vst v1  }
0x2f: {  	v0 =	vld [tilespmem:$0x2940]  }
0x30: {  	v1 =	vld [tilespmem:$0x2950]  }
0x31: {  	v49 =	vld [tilespmem:$0x2960]  }
0x32: {  	v50 =	vld [tilespmem:$0x2970]  }
0x33: {  	v51 =	vld [tilespmem:$0x2980]  }
0x34: {  	v52 =	vld [tilespmem:$0x2990]  }
0x35: {  	v53 =	vld [tilespmem:$0x29A0]  }
0x36: {  	v54 =	vld [tilespmem:$0x29B0];
	v0 =	vadd.f32 v49, v0  }
0x37: {  	v55 =	vld [tilespmem:$0x29C0];
	v1 =	vadd.f32 v50, v1  }
0x38: {  	v56 =	vld [tilespmem:$0x29D0];
	v0 =	vadd.f32 v51, v0  }
0x39: {  	v57 =	vld [tilespmem:$0x29E0];
	v1 =	vadd.f32 v52, v1  }
0x3a: {  	v58 =	vld [tilespmem:$0x29F0];
	v0 =	vadd.f32 v53, v0  }
0x3b: {  	v59 =	vld [tilespmem:$0x2A00];
	v1 =	vadd.f32 v54, v1  }
0x3c: {  	v60 =	vld [tilespmem:$0x2A10];
	v0 =	vadd.f32 v55, v0  }
0x3d: {  	v61 =	vld [tilespmem:$0x2A20];
	v1 =	vadd.f32 v56, v1  }
0x3e: {  	v62 =	vld [tilespmem:$0x2A30];
	v0 =	vadd.f32 v57, v0  }
0x3f: {  	v63 =	vld [tilespmem:$0x2A40];
	v1 =	vadd.f32 v58, v1  }
0x40: {  	v9 =	vld [tilespmem:$0x2A50];
	v0 =	vadd.f32 v59, v0  }
0x41: {  	v10 =	vld [tilespmem:$0x2A60];
	v1 =	vadd.f32 v60, v1  }
0x42: {  	v11 =	vld [tilespmem:$0x2A70];
	v0 =	vadd.f32 v61, v0  }
0x43: {  	v1 =	vadd.f32 v62, v1  }
0x44: {  	v0 =	vadd.f32 v63, v0  }
0x45: {  	v1 =	vadd.f32 v9, v1  }
0x46: {  	v0 =	vadd.f32 v10, v0  }
0x47: {  	v1 =	vadd.f32 v11, v1  }
0x48: {  	[tilespmem:s13+$0xFFFFFFA0] =	vst v0  }
0x49: {  	[tilespmem:s13+$0xFFFFFFB0] =	vst v1  }
0x4a: {  	v0 =	vld [tilespmem:$0x2A80]  }
0x4b: {  	v1 =	vld [tilespmem:$0x2A90]  }
0x4c: {  	v12 =	vld [tilespmem:$0x2AA0]  }
0x4d: {  	v13 =	vld [tilespmem:$0x2AB0]  }
0x4e: {  	v14 =	vld [tilespmem:$0x2AC0]  }
0x4f: {  	v15 =	vld [tilespmem:$0x2AD0]  }
0x50: {  	v16 =	vld [tilespmem:$0x2AE0]  }
0x51: {  	v17 =	vld [tilespmem:$0x2AF0];
	v0 =	vadd.f32 v12, v0  }
0x52: {  	v18 =	vld [tilespmem:$0x2B00];
	v1 =	vadd.f32 v13, v1  }
0x53: {  	v19 =	vld [tilespmem:$0x2B10];
	v0 =	vadd.f32 v14, v0  }
0x54: {  	v20 =	vld [tilespmem:$0x2B20];
	v1 =	vadd.f32 v15, v1  }
0x55: {  	v21 =	vld [tilespmem:$0x2B30];
	v0 =	vadd.f32 v16, v0  }
0x56: {  	v22 =	vld [tilespmem:$0x2B40];
	v1 =	vadd.f32 v17, v1  }
0x57: {  	v23 =	vld [tilespmem:$0x2B50];
	v0 =	vadd.f32 v18, v0  }
0x58: {  	v24 =	vld [tilespmem:$0x2B60];
	v1 =	vadd.f32 v19, v1  }
0x59: {  	v25 =	vld [tilespmem:$0x2B70];
	v0 =	vadd.f32 v20, v0  }
0x5a: {  	v26 =	vld [tilespmem:$0x2B80];
	v1 =	vadd.f32 v21, v1  }
0x5b: {  	v27 =	vld [tilespmem:$0x2B90];
	v0 =	vadd.f32 v22, v0  }
0x5c: {  	v28 =	vld [tilespmem:$0x2BA0];
	v1 =	vadd.f32 v23, v1  }
0x5d: {  	v29 =	vld [tilespmem:$0x2BB0];
	v0 =	vadd.f32 v24, v0  }
0x5e: {  	v1 =	vadd.f32 v25, v1  }
0x5f: {  	v0 =	vadd.f32 v26, v0  }
0x60: {  	v1 =	vadd.f32 v27, v1  }
0x61: {  	v0 =	vadd.f32 v28, v0  }
0x62: {  	v1 =	vadd.f32 v29, v1  }
0x63: {  	[tilespmem:s13+$0xFFFFFFC0] =	vst v0  }
0x64: {  	[tilespmem:s13+$0xFFFFFFD0] =	vst v1  }
0x65: {  	v0 =	vld [tilespmem:$0x2BC0]  }
0x66: {  	v1 =	vld [tilespmem:$0x2BD0]  }
0x67: {  	v30 =	vld [tilespmem:$0x2BE0]  }
0x68: {  	v31 =	vld [tilespmem:$0x2BF0]  }
0x69: {  	v32 =	vld [tilespmem:$0x2C00]  }
0x6a: {  	v33 =	vld [tilespmem:$0x2C10]  }
0x6b: {  	v34 =	vld [tilespmem:$0x2C20]  }
0x6c: {  	v35 =	vld [tilespmem:$0x2C30];
	v0 =	vadd.f32 v30, v0  }
0x6d: {  	v36 =	vld [tilespmem:$0x2C40];
	v1 =	vadd.f32 v31, v1  }
0x6e: {  	v37 =	vld [tilespmem:$0x2C50];
	v0 =	vadd.f32 v32, v0  }
0x6f: {  	v38 =	vld [tilespmem:$0x2C60];
	v1 =	vadd.f32 v33, v1  }
0x70: {  	v39 =	vld [tilespmem:$0x2C70];
	v0 =	vadd.f32 v34, v0  }
0x71: {  	v40 =	vld [tilespmem:$0x2C80];
	v1 =	vadd.f32 v35, v1  }
0x72: {  	v41 =	vld [tilespmem:$0x2C90];
	v0 =	vadd.f32 v36, v0  }
0x73: {  	v42 =	vld [tilespmem:$0x2CA0];
	v1 =	vadd.f32 v37, v1  }
0x74: {  	v43 =	vld [tilespmem:$0x2CB0];
	v0 =	vadd.f32 v38, v0  }
0x75: {  	v44 =	vld [tilespmem:$0x2CC0];
	v1 =	vadd.f32 v39, v1  }
0x76: {  	v45 =	vld [tilespmem:$0x2CD0];
	v0 =	vadd.f32 v40, v0  }
0x77: {  	v46 =	vld [tilespmem:$0x2CE0];
	v1 =	vadd.f32 v41, v1  }
0x78: {  	v47 =	vld [tilespmem:$0x2CF0];
	v0 =	vadd.f32 v42, v0  }
0x79: {  	v1 =	vadd.f32 v43, v1  }
0x7a: {  	v0 =	vadd.f32 v44, v0  }
0x7b: {  	v1 =	vadd.f32 v45, v1  }
0x7c: {  	v0 =	vadd.f32 v46, v0  }
0x7d: {  	v1 =	vadd.f32 v47, v1  }
0x7e: {  	[tilespmem:s13+$0xFFFFFFE0] =	vst v0  }
0x7f: {  	[tilespmem:s13+$0xFFFFFFF0] =	vst v1  }
0x80: {  	v0 =	vld [tilespmem:$0x2D00]  }
0x81: {  	v1 =	vld [tilespmem:$0x2D10]  }
0x82: {  	v48 =	vld [tilespmem:$0x2D20]  }
0x83: {  	v49 =	vld [tilespmem:$0x2D30]  }
0x84: {  	v50 =	vld [tilespmem:$0x2D40]  }
0x85: {  	v51 =	vld [tilespmem:$0x2D50]  }
0x86: {  	v52 =	vld [tilespmem:$0x2D60]  }
0x87: {  	v53 =	vld [tilespmem:$0x2D70];
	v0 =	vadd.f32 v48, v0  }
0x88: {  	v54 =	vld [tilespmem:$0x2D80];
	v1 =	vadd.f32 v49, v1  }
0x89: {  	v55 =	vld [tilespmem:$0x2D90];
	v0 =	vadd.f32 v50, v0  }
0x8a: {  	v56 =	vld [tilespmem:$0x2DA0];
	v1 =	vadd.f32 v51, v1  }
0x8b: {  	v57 =	vld [tilespmem:$0x2DB0];
	v0 =	vadd.f32 v52, v0  }
0x8c: {  	v58 =	vld [tilespmem:$0x2DC0];
	v1 =	vadd.f32 v53, v1  }
0x8d: {  	v59 =	vld [tilespmem:$0x2DD0];
	v0 =	vadd.f32 v54, v0  }
0x8e: {  	v60 =	vld [tilespmem:$0x2DE0];
	v1 =	vadd.f32 v55, v1  }
0x8f: {  	v61 =	vld [tilespmem:$0x2DF0];
	v0 =	vadd.f32 v56, v0  }
0x90: {  	v62 =	vld [tilespmem:$0x2E00];
	v1 =	vadd.f32 v57, v1  }
0x91: {  	v63 =	vld [tilespmem:$0x2E10];
	v0 =	vadd.f32 v58, v0  }
0x92: {  	v8 =	vld [tilespmem:$0x2E20];
	v1 =	vadd.f32 v59, v1  }
0x93: {  	v9 =	vld [tilespmem:$0x2E30];
	v0 =	vadd.f32 v60, v0  }
0x94: {  	v1 =	vadd.f32 v61, v1  }
0x95: {  	v0 =	vadd.f32 v62, v0  }
0x96: {  	v1 =	vadd.f32 v63, v1  }
0x97: {  	v0 =	vadd.f32 v8, v0  }
0x98: {  	v1 =	vadd.f32 v9, v1  }
0x99: {  	[tilespmem:s13+$0x0] =	vst v0  }
0x9a: {  	[tilespmem:s13+$0x10] =	vst v1  }
0x9b: {  	v0 =	vld [tilespmem:$0x2E40]  }
0x9c: {  	v1 =	vld [tilespmem:$0x2E50]  }
0x9d: {  	v10 =	vld [tilespmem:$0x2E60]  }
0x9e: {  	v11 =	vld [tilespmem:$0x2E70]  }
0x9f: {  	v12 =	vld [tilespmem:$0x2E80]  }
0xa0: {  	v13 =	vld [tilespmem:$0x2E90]  }
0xa1: {  	v14 =	vld [tilespmem:$0x2EA0]  }
0xa2: {  	v15 =	vld [tilespmem:$0x2EB0];
	v0 =	vadd.f32 v10, v0  }
0xa3: {  	v16 =	vld [tilespmem:$0x2EC0];
	v1 =	vadd.f32 v11, v1  }
0xa4: {  	v17 =	vld [tilespmem:$0x2ED0];
	v0 =	vadd.f32 v12, v0  }
0xa5: {  	v18 =	vld [tilespmem:$0x2EE0];
	v1 =	vadd.f32 v13, v1  }
0xa6: {  	v19 =	vld [tilespmem:$0x2EF0];
	v0 =	vadd.f32 v14, v0  }
0xa7: {  	v20 =	vld [tilespmem:$0x2F00];
	v1 =	vadd.f32 v15, v1  }
0xa8: {  	v21 =	vld [tilespmem:$0x2F10];
	v0 =	vadd.f32 v16, v0  }
0xa9: {  	v22 =	vld [tilespmem:$0x2F20];
	v1 =	vadd.f32 v17, v1  }
0xaa: {  	v23 =	vld [tilespmem:$0x2F30];
	v0 =	vadd.f32 v18, v0  }
0xab: {  	v24 =	vld [tilespmem:$0x2F40];
	v1 =	vadd.f32 v19, v1  }
0xac: {  	v25 =	vld [tilespmem:$0x2F50];
	v0 =	vadd.f32 v20, v0  }
0xad: {  	v26 =	vld [tilespmem:$0x2F60];
	v1 =	vadd.f32 v21, v1  }
0xae: {  	v27 =	vld [tilespmem:$0x2F70];
	v0 =	vadd.f32 v22, v0  }
0xaf: {  	v1 =	vadd.f32 v23, v1  }
0xb0: {  	v0 =	vadd.f32 v24, v0  }
0xb1: {  	v1 =	vadd.f32 v25, v1  }
0xb2: {  	v0 =	vadd.f32 v26, v0  }
0xb3: {  	v1 =	vadd.f32 v27, v1  }
0xb4: {  	[tilespmem:s13+$0x20] =	vst v0  }
0xb5: {  	[tilespmem:s13+$0x30] =	vst v1  }
0xb6: {  	v0 =	vld [tilespmem:$0x2F80]  }
0xb7: {  	v1 =	vld [tilespmem:$0x2F90]  }
0xb8: {  	v28 =	vld [tilespmem:$0x2FA0]  }
0xb9: {  	v29 =	vld [tilespmem:$0x2FB0]  }
0xba: {  	v30 =	vld [tilespmem:$0x2FC0]  }
0xbb: {  	v31 =	vld [tilespmem:$0x2FD0]  }
0xbc: {  	v32 =	vld [tilespmem:$0x2FE0]  }
0xbd: {  	v33 =	vld [tilespmem:$0x2FF0];
	v0 =	vadd.f32 v28, v0  }
0xbe: {  	v34 =	vld [tilespmem:$0x3000];
	v1 =	vadd.f32 v29, v1  }
0xbf: {  	v35 =	vld [tilespmem:$0x3010];
	v0 =	vadd.f32 v30, v0  }
0xc0: {  	v36 =	vld [tilespmem:$0x3020];
	v1 =	vadd.f32 v31, v1  }
0xc1: {  	v37 =	vld [tilespmem:$0x3030];
	v0 =	vadd.f32 v32, v0  }
0xc2: {  	v38 =	vld [tilespmem:$0x3040];
	v1 =	vadd.f32 v33, v1  }
0xc3: {  	v39 =	vld [tilespmem:$0x3050];
	v0 =	vadd.f32 v34, v0  }
0xc4: {  	v40 =	vld [tilespmem:$0x3060];
	v1 =	vadd.f32 v35, v1  }
0xc5: {  	v41 =	vld [tilespmem:$0x3070];
	v0 =	vadd.f32 v36, v0  }
0xc6: {  	v42 =	vld [tilespmem:$0x3080];
	v1 =	vadd.f32 v37, v1  }
0xc7: {  	v43 =	vld [tilespmem:$0x3090];
	v0 =	vadd.f32 v38, v0  }
0xc8: {  	v44 =	vld [tilespmem:$0x30A0];
	v1 =	vadd.f32 v39, v1  }
0xc9: {  	v45 =	vld [tilespmem:$0x30B0];
	v0 =	vadd.f32 v40, v0  }
0xca: {  	v1 =	vadd.f32 v41, v1  }
0xcb: {  	v0 =	vadd.f32 v42, v0  }
0xcc: {  	v1 =	vadd.f32 v43, v1  }
0xcd: {  	v0 =	vadd.f32 v44, v0  }
0xce: {  	v1 =	vadd.f32 v45, v1  }
0xcf: {  	[tilespmem:s13+$0x40] =	vst v0  }
0xd0: {  	[tilespmem:s13+$0x50] =	vst v1  }
0xd1: {  	v0 =	vld [tilespmem:$0x30C0]  }
0xd2: {  	v1 =	vld [tilespmem:$0x30D0]  }
0xd3: {  	v46 =	vld [tilespmem:$0x30E0]  }
0xd4: {  	v47 =	vld [tilespmem:$0x30F0]  }
0xd5: {  	v48 =	vld [tilespmem:$0x3100]  }
0xd6: {  	v49 =	vld [tilespmem:$0x3110]  }
0xd7: {  	v50 =	vld [tilespmem:$0x3120]  }
0xd8: {  	v51 =	vld [tilespmem:$0x3130];
	v0 =	vadd.f32 v46, v0  }
0xd9: {  	v52 =	vld [tilespmem:$0x3140];
	v1 =	vadd.f32 v47, v1  }
0xda: {  	v53 =	vld [tilespmem:$0x3150];
	v0 =	vadd.f32 v48, v0  }
0xdb: {  	v54 =	vld [tilespmem:$0x3160];
	v1 =	vadd.f32 v49, v1  }
0xdc: {  	v55 =	vld [tilespmem:$0x3170];
	v0 =	vadd.f32 v50, v0  }
0xdd: {  	v56 =	vld [tilespmem:$0x3180];
	v1 =	vadd.f32 v51, v1  }
0xde: {  	v57 =	vld [tilespmem:$0x3190];
	v0 =	vadd.f32 v52, v0  }
0xdf: {  	v58 =	vld [tilespmem:$0x31A0];
	v1 =	vadd.f32 v53, v1  }
0xe0: {  	v59 =	vld [tilespmem:$0x31B0];
	v0 =	vadd.f32 v54, v0  }
0xe1: {  	v60 =	vld [tilespmem:$0x31C0];
	v1 =	vadd.f32 v55, v1  }
0xe2: {  	v61 =	vld [tilespmem:$0x31D0];
	v0 =	vadd.f32 v56, v0  }
0xe3: {  	v62 =	vld [tilespmem:$0x31E0];
	v1 =	vadd.f32 v57, v1  }
0xe4: {  	v63 =	vld [tilespmem:$0x31F0];
	v0 =	vadd.f32 v58, v0  }
0xe5: {  	v1 =	vadd.f32 v59, v1  }
0xe6: {  	p0 =	sne.s32 s14, $0x9EC0;
	v0 =	vadd.f32 v60, v0  }
.Ltmp0:
0xe7: {  	v1 =	vadd.f32 v61, v1;
	(pc) =	sbr.rel @p0 .LBB2_2-.Ltmp0, $4  }
0xe8: {  	v0 =	vadd.f32 v62, v0  }
0xe9: {  	v1 =	vadd.f32 v63, v1  }
0xea: {  	[tilespmem:s13+$0x60] =	vst v0  }
0xeb: {  	s14 =	sadd.s32 $0x140, s14;
	[tilespmem:s13+$0x70] =	vst v1;
	s13 =	sadd.s32 $0x100, s13  }
0xec: {  	s12 =	sadd.s32 $0x1, s12  }
0xed: {  	p0 =	sne.s32 s12, s6  }
.Ltmp1:
0xee: {  	_ = 	snop;
	(pc) =	sbr.rel @p0 .LBB2_1-.Ltmp1, $4  }
0xef: {  	[hbm4b:s5+s2] =	stream.linear.scatter [tilespmem:s11], [sflag:$0x2], $0x8000, $0x38;
	[tilespmem:$0xB200] =	vst v63  }
0xf0: {  	_ =	swait.ge [sflag:s7], $0x8000  }
0xf1: {  	[sflag:s7] =	ssyncset.done $0x0  }
0xf2: {  	[sflag:s7] =	ssyncadd.s32 $0xFFFF8000  }
0xf3: {  	_ =	sfence.sel $0x180000  }
0xf4: {  	[bflag:$0x0] =	sbarrier.arrive $0xFFFF  }
0xf5: {  	p0 =	sne.s32 s0, $0x0;
	_ =	strace $0x90000047  }
0xf6: {  	s0 =	sadd.s32 @!p0 $0x100000, s1;
	[bflag:$0x2] =	sbarrier.arrive $0xFFFF  }
0xf7: {  	[sflag:s0] =	ssyncadd.tile.s32 @!p0 $0x1;
	_ =	shalt  }
.Lfunc_end2:
_tile_overlayer_lowered:
.L_overlay_start_2:
0xf8: {  	(tag) =	ssettag $0x2  }
0xf9: {  	s0 =	rddreg [dreg:$0x0];
	s2 =	stileid.u32  }
0xfa: {  	s1 =	rddreg [dreg:$0x1];
	p0 =	sne.s32 s2, $0x0  }
0xfb: {  	s3 =	rddreg [dreg:$0x2];
	[bflag:$0x3] =	sbarrier.arrive $0xFFFF;
	s2 =	simm.s32 @!p0 $0x1C02  }
0xfc: {  	[timem:s3], [sflag:s2] =	dma.local @!p0 [hbm:s0], s1  }
0xfd: {  	s0 =	simm.s32 @!p0 $0x2  }
0xfe: {  	_ =	swait.ge @!p0 [sflag:s0], s1  }
0xff: {  	s1 =	ssub.s32 @!p0 $0x0, s1;
	[sflag:s0] =	ssyncset.done @!p0 $0x0  }
0x100: {  	[sflag:s0] =	ssyncadd.s32 @!p0 s1  }
0x101: {  	[bflag:$0x3] =	sbarrier.arrive $0xFFFF  }
0x102: {  	_ =	shalt  }

</sc_bundles>
